<compile_context>
chip_gen: v7x
topology: tpu7x:2x2x1
jax: 0.10.2.dev20260603
libtpu: 0.0.44.dev20260713+nightly
codegen_flags: <defaults>
</compile_context>

<pallas_src>
import functools
import jax
import jax.numpy as jnp
from jax import lax
from jax.experimental import pallas as pl
from jax.experimental.pallas import tpu as pltpu
from jax.experimental.pallas import tpu_sc as plsc

B, N_FEAT, D = 16384, 100, 128
NP1 = N_FEAT + 1
NW = 32

B_SC = 2048
B_TC = B - B_SC

ROWS_PER_W = B_SC // NW
G = 2
XC = 16
NCHUNK = ROWS_PER_W // XC
GPC = XC // G
NV = D // 16

_mesh = plsc.VectorSubcoreMesh(core_axis_name="c", subcore_axis_name="s")


@functools.partial(
    pl.kernel,
    mesh=_mesh,
    out_type=jax.ShapeDtypeStruct((B, NP1, D), jnp.float32),
    scratch_types=[
        pltpu.VMEM((NP1, D), jnp.float32),
        pltpu.VMEM((N_FEAT, D), jnp.float32),
        pltpu.VMEM((XC, 128), jnp.float32),
        pltpu.VMEM((G, NP1, D), jnp.float32),
        pltpu.VMEM((G, NP1, D), jnp.float32),
        pltpu.SemaphoreType.DMA,
        pltpu.SemaphoreType.DMA,
    ],
)
def _sc_tok(x_hbm, w_hbm, b_hbm, out_hbm, w_v, b_v, x_v, o_v0, o_v1, sem0, sem1):
    c = lax.axis_index("c")
    s = lax.axis_index("s")
    wid = s * 2 + c
    base = B_TC + wid * ROWS_PER_W
    pltpu.sync_copy(w_hbm, w_v)
    pltpu.sync_copy(b_hbm, b_v)
    o_bufs = (o_v0, o_v1)
    sems = (sem0, sem1)

    def compute_group(r_local, o_v):
        def feat(n, carry2):
            for j in range(G):
                xs = x_v[r_local + j, pl.ds(n - 1, 16)][0]
                for dv in range(NV):
                    sl = pl.ds(dv * 16, 16)
                    o_v[j, n, sl] = xs * w_v[n, sl] + b_v[n - 1, sl]
            return carry2

        lax.fori_loop(1, NP1, feat, 0)
        for j in range(G):
            for dv in range(NV):
                sl = pl.ds(dv * 16, 16)
                o_v[j, 0, sl] = w_v[0, sl]

    def chunk(ci, carry):
        pltpu.sync_copy(x_hbm.at[pl.ds(wid * ROWS_PER_W + ci * XC, XC)], x_v)

        def pair(q, carry2):
            for p in range(2):
                gl = q * 2 + p
                row0 = base + ci * XC + gl * G

                @pl.when((ci > 0) | (q > 0))
                def _wait():
                    pltpu.make_async_copy(
                        o_bufs[p], out_hbm.at[pl.ds(row0, G)], sems[p]
                    ).wait()

                compute_group(gl * G, o_bufs[p])
                pltpu.make_async_copy(
                    o_bufs[p], out_hbm.at[pl.ds(row0, G)], sems[p]
                ).start()
            return carry2

        lax.fori_loop(0, GPC // 2, pair, 0)
        return carry

    lax.fori_loop(0, NCHUNK, chunk, 0)
    for p in range(2):
        row0 = base + ROWS_PER_W - (2 - p) * G
        pltpu.make_async_copy(
            o_bufs[p], out_hbm.at[pl.ds(row0, G)], sems[p]
        ).wait()


BB = 256


def _tc_body(o_in_ref, xn_ref, w_ref, b_ref, o_ref):
    del o_in_ref
    xn = xn_ref[...]
    o_ref[...] = xn[:, :, None] * w_ref[...][None] + b_ref[...][None]


def _tc_fill(out_sc, xn_head, w, bias_p):
    return pl.pallas_call(
        _tc_body,
        grid=(B_TC // BB,),
        in_specs=[
            pl.BlockSpec(memory_space=pltpu.MemorySpace.HBM),
            pl.BlockSpec((BB, NP1), lambda i: (i, 0)),
            pl.BlockSpec((NP1, D), lambda i: (0, 0)),
            pl.BlockSpec((NP1, D), lambda i: (0, 0)),
        ],
        out_specs=pl.BlockSpec((BB, NP1, D), lambda i: (i, 0, 0)),
        out_shape=jax.ShapeDtypeStruct((B, NP1, D), jnp.float32),
        input_output_aliases={0: 0},
        compiler_params=pltpu.CompilerParams(
            dimension_semantics=("parallel",),
        ),
    )(out_sc, xn_head, w, bias_p)


def kernel(x, numerical_weight, numerical_bias):
    x_sc = jnp.pad(x[B_TC:], ((0, 0), (0, 128 - N_FEAT)))
    out_sc = _sc_tok(x_sc, numerical_weight, numerical_bias)

    ones = jnp.ones((B_TC, 1), dtype=x.dtype)
    xn_head = jnp.concatenate([ones, x[:B_TC]], axis=1)
    zero = jnp.zeros((1, D), dtype=numerical_bias.dtype)
    bias_p = jnp.concatenate([zero, numerical_bias], axis=0)
    return _tc_fill(out_sc, xn_head, numerical_weight, bias_p)

# --- scband reference (transcript-rebuilt; emitter-appended) ---
"""Pipeline reference for scband-ft-tokenizer-83313775608029 (READ-ONLY COPY).

The authoritative reference and input builder live on the scoring server;
editing this copy changes nothing except your own understanding.
"""

import jax, jax.numpy as jnp
import numpy as np

B, N_FEAT, D_TOKEN = 16384, 100, 128

def setup_inputs(seed: int = 0) -> dict:
    key = jax.random.key(seed)
    k1, k2, k3 = jax.random.split(key, 3)
    x = jax.random.normal(k1, (B, N_FEAT), dtype=jnp.float32)
    # kaiming_uniform_(a=sqrt(5)) on a [rows, d_token] tensor -> fan_in = d_token,
    # bound = sqrt(1/fan_in)
    bound = 1.0 / np.sqrt(D_TOKEN)
    numerical_weight = jax.random.uniform(k2, (N_FEAT + 1, D_TOKEN), minval=-bound, maxval=bound, dtype=jnp.float32)
    numerical_bias = jax.random.uniform(k3, (N_FEAT, D_TOKEN), minval=-bound, maxval=bound, dtype=jnp.float32)
    return {"x": x, "numerical_weight": numerical_weight, "numerical_bias": numerical_bias}

def reference(x, numerical_weight, numerical_bias):
    # feature_cols_ids = arange(d_numerical): all ids unique -> all columns are numerical,
    # no categorical embeddings.
    # x_num = [ones(B,1), x]  (CLS-style constant-1 feature prepended)
    ones = jnp.ones((x.shape[0], 1), dtype=x.dtype)
    x_num = jnp.concatenate([ones, x], axis=1)                      # [B, n_feat+1]
    # einsum 'b n, n d -> b n d' == broadcast outer product per feature
    x_num_emb = x_num[:, :, None] * numerical_weight[None, :, :]    # [B, n_feat+1, d_token]
    # bias: zero row for the prepended constant feature, then learned bias
    bias = jnp.concatenate([jnp.zeros((1, numerical_bias.shape[1]), dtype=numerical_bias.dtype), numerical_bias], axis=0)  # [n_feat+1, d_token]
    x_num_emb = x_num_emb + bias[None, :, :]
    return x_num_emb

if __name__ == "__main__":
    import jax
    _d = setup_inputs()
    print(jax.jit(kernel)(*tuple(_d.values())))

</pallas_src>

<mosaic_0001>
#map = affine_map<(d0, d1) -> (0, 0)>
#map1 = affine_map<(d0, d1) -> (0, 0, 0)>
module attributes {stable_mosaic.version = 14 : i64} {
  func.func @_sc_tok(%arg0: i32, %arg1: i32, %arg2: memref<2048x128xf32, #tpu.memory_space<hbm>>, %arg3: memref<101x128xf32, #tpu.memory_space<hbm>>, %arg4: memref<100x128xf32, #tpu.memory_space<hbm>>, %arg5: memref<16384x101x128xf32, #tpu.memory_space<hbm>>, %arg6: memref<101x128xf32, #tpu.memory_space<vmem>>, %arg7: memref<100x128xf32, #tpu.memory_space<vmem>>, %arg8: memref<16x128xf32, #tpu.memory_space<vmem>>, %arg9: memref<2x101x128xf32, #tpu.memory_space<vmem>>, %arg10: memref<2x101x128xf32, #tpu.memory_space<vmem>>, %arg11: memref<!tpu.dma_semaphore, #tpu.memory_space<semaphore_mem>>, %arg12: memref<!tpu.dma_semaphore, #tpu.memory_space<semaphore_mem>>) attributes {dimension_semantics = [#tpu.dimension_semantics<core_parallel>, #tpu.dimension_semantics<subcore_parallel>], iteration_bounds = array<i64: 2, 16>, scalar_prefetch = 0 : i64, scratch_operands = 7 : i64, tpu.core_type = #tpu.core_type<sc_vector_subcore>, window_params = [{transform_indices = #map}, {transform_indices = #map}, {transform_indices = #map}, {transform_indices = #map1}]} {
    %mul3A = arith.constant 2 : i32
    %mul3A_0 = arith.muli %arg1, %mul3A : i32
    %add3A = arith.addi %mul3A_0, %arg0 : i32
    %mul3A_1 = arith.constant 64 : i32
    %mul3A_2 = arith.muli %add3A, %mul3A_1 : i32
    %add3A_3 = arith.constant 14336 : i32
    %add3A_4 = arith.addi %add3A_3, %mul3A_2 : i32
    "tpu.region"() ({
      %run_scoped3A = tpu.sem_alloc : memref<!tpu.dma_semaphore, #tpu.memory_space<semaphore_mem>>
      tpu.enqueue_dma source(%arg3 : memref<101x128xf32, #tpu.memory_space<hbm>>) target(%arg6 : memref<101x128xf32, #tpu.memory_space<vmem>>) target_semaphore(%run_scoped3A : memref<!tpu.dma_semaphore, #tpu.memory_space<semaphore_mem>>)
      tpu.wait_dma2 semaphore(%run_scoped3A : memref<!tpu.dma_semaphore, #tpu.memory_space<semaphore_mem>>) src(%arg3 : memref<101x128xf32, #tpu.memory_space<hbm>>) dst(%arg6 : memref<101x128xf32, #tpu.memory_space<vmem>>)
      tpu.yield
    }) : () -> ()
    "tpu.region"() ({
      %run_scoped3A = tpu.sem_alloc : memref<!tpu.dma_semaphore, #tpu.memory_space<semaphore_mem>>
      tpu.enqueue_dma source(%arg4 : memref<100x128xf32, #tpu.memory_space<hbm>>) target(%arg7 : memref<100x128xf32, #tpu.memory_space<vmem>>) target_semaphore(%run_scoped3A : memref<!tpu.dma_semaphore, #tpu.memory_space<semaphore_mem>>)
      tpu.wait_dma2 semaphore(%run_scoped3A : memref<!tpu.dma_semaphore, #tpu.memory_space<semaphore_mem>>) src(%arg4 : memref<100x128xf32, #tpu.memory_space<hbm>>) dst(%arg7 : memref<100x128xf32, #tpu.memory_space<vmem>>)
      tpu.yield
    }) : () -> ()
    %scan3A = arith.constant 0 : i32
    %scan3A_5 = arith.constant 0 : i32
    %scan3A_6 = arith.constant 4 : i32
    %scan3A_7 = arith.addi %scan3A_5, %scan3A_6 : i32
    %scan3A_8 = arith.constant 1 : i32
    scf.for %scan3A_28 = %scan3A_5 to %scan3A_7 step %scan3A_8  : i32 {
      %mul3A_29 = arith.constant 64 : i32
      %mul3A_30 = arith.muli %add3A, %mul3A_29 : i32
      %mul3A_31 = arith.constant 16 : i32
      %mul3A_32 = arith.muli %scan3A_28, %mul3A_31 : i32
      %add3A_33 = arith.addi %mul3A_30, %mul3A_32 : i32
      "tpu.region"() ({
        %run_scoped3A = tpu.sem_alloc : memref<!tpu.dma_semaphore, #tpu.memory_space<semaphore_mem>>
        %dma_start3A = arith.constant 0 : i32
        %dma_start3A_40 = tpu.memref_slice %arg2[%add3A_33, %dma_start3A] : memref<2048x128xf32, #tpu.memory_space<hbm>> -> memref<16x128xf32, #tpu.memory_space<hbm>>
        %dma_start3A_41 = arith.constant 0 : i32
        %dma_start3A_42 = tpu.memref_slice %arg2[%add3A_33, %dma_start3A_41] : memref<2048x128xf32, #tpu.memory_space<hbm>> -> memref<16x128xf32, #tpu.memory_space<hbm>>
        tpu.enqueue_dma source(%dma_start3A_42 : memref<16x128xf32, #tpu.memory_space<hbm>>) target(%arg8 : memref<16x128xf32, #tpu.memory_space<vmem>>) target_semaphore(%run_scoped3A : memref<!tpu.dma_semaphore, #tpu.memory_space<semaphore_mem>>)
        %dma_wait3A_43 = arith.constant 0 : i32
        %dma_wait3A_44 = tpu.memref_slice %arg2[%add3A_33, %dma_wait3A_43] : memref<2048x128xf32, #tpu.memory_space<hbm>> -> memref<16x128xf32, #tpu.memory_space<hbm>>
        %dma_wait3A_45 = arith.constant 0 : i32
        %dma_wait3A_46 = tpu.memref_slice %arg2[%add3A_33, %dma_wait3A_45] : memref<2048x128xf32, #tpu.memory_space<hbm>> -> memref<16x128xf32, #tpu.memory_space<hbm>>
        tpu.wait_dma2 semaphore(%run_scoped3A : memref<!tpu.dma_semaphore, #tpu.memory_space<semaphore_mem>>) src(%dma_wait3A_46 : memref<16x128xf32, #tpu.memory_space<hbm>>) dst(%arg8 : memref<16x128xf32, #tpu.memory_space<vmem>>)
        tpu.yield
      }) : () -> ()
      %scan3A_34 = arith.constant 0 : i32
      %scan3A_35 = arith.constant 0 : i32
      %scan3A_36 = arith.constant 4 : i32
      %scan3A_37 = arith.addi %scan3A_35, %scan3A_36 : i32
      %scan3A_38 = arith.constant 1 : i32
      scf.for %scan3A_40 = %scan3A_35 to %scan3A_37 step %scan3A_38  : i32 {
        %mul3A_41 = arith.constant 2 : i32
        %mul3A_42 = arith.muli %scan3A_40, %mul3A_41 : i32
        %add3A_43 = arith.constant 0 : i32
        %add3A_44 = arith.addi %mul3A_42, %add3A_43 : i32
        %mul3A_45 = arith.constant 16 : i32
        %mul3A_46 = arith.muli %scan3A_28, %mul3A_45 : i32
        %add3A_47 = arith.addi %add3A_4, %mul3A_46 : i32
        %mul3A_48 = arith.constant 2 : i32
        %mul3A_49 = arith.muli %add3A_44, %mul3A_48 : i32
        %add3A_50 = arith.addi %add3A_47, %mul3A_49 : i32
        %gt3A = arith.constant 0 : i32
        %gt3A_51 = arith.cmpi sgt, %scan3A_28, %gt3A : i32
        %gt3A_52 = arith.constant 0 : i32
        %gt3A_53 = arith.cmpi sgt, %scan3A_40, %gt3A_52 : i32
        %or3A = arith.ori %gt3A_51, %gt3A_53 : i1
        %convert_element_type3A = arith.extui %or3A : i1 to i32
        %cond3A = arith.constant 0 : i32
        %cond3A_54 = arith.cmpi ne, %convert_element_type3A, %cond3A : i32
        scf.if %cond3A_54 {
          %dma_wait3A_514 = arith.constant 0 : i32
          %dma_wait3A_515 = arith.constant 0 : i32
          %dma_wait3A_516 = tpu.memref_slice %arg5[%add3A_50, %dma_wait3A_514, %dma_wait3A_515] : memref<16384x101x128xf32, #tpu.memory_space<hbm>> -> memref<2x101x128xf32, #tpu.memory_space<hbm>>
          %dma_wait3A_517 = arith.constant 0 : i32
          %dma_wait3A_518 = arith.constant 0 : i32
          %dma_wait3A_519 = tpu.memref_slice %arg5[%add3A_50, %dma_wait3A_517, %dma_wait3A_518] : memref<16384x101x128xf32, #tpu.memory_space<hbm>> -> memref<2x101x128xf32, #tpu.memory_space<hbm>>
          tpu.wait_dma2 semaphore(%arg11 : memref<!tpu.dma_semaphore, #tpu.memory_space<semaphore_mem>>) src(%arg9 : memref<2x101x128xf32, #tpu.memory_space<vmem>>) dst(%dma_wait3A_519 : memref<2x101x128xf32, #tpu.memory_space<hbm>>)
        } else {
        }
        %mul3A_55 = arith.constant 2 : i32
        %mul3A_56 = arith.muli %add3A_44, %mul3A_55 : i32
        %scan3A_57 = arith.constant 0 : i32
        %scan3A_58 = arith.constant 1 : i32
        %scan3A_59 = arith.constant 100 : i32
        %scan3A_60 = arith.addi %scan3A_58, %scan3A_59 : i32
        %scan3A_61 = arith.constant 1 : i32
        scf.for %scan3A_514 = %scan3A_58 to %scan3A_60 step %scan3A_61  : i32 {
          %add3A_515 = arith.constant 0 : i32
          %add3A_516 = arith.addi %mul3A_56, %add3A_515 : i32
          %sub3A_517 = arith.constant 1 : i32
          %sub3A_518 = arith.subi %scan3A_514, %sub3A_517 : i32
          %get3A_519 = arith.index_cast %add3A_516 : i32 to index
          %get3A_520 = arith.index_cast %sub3A_518 : i32 to index
          %get3A_521 = tpu.vector_load %arg8[%get3A_519, %get3A_520] {strides = array<i32>} : memref<16x128xf32, #tpu.memory_space<vmem>>, vector<1x16xf32>,
          %get3A_522 = vector.shape_cast %get3A_521 : vector<1x16xf32> to vector<16xf32>
          %slice3A = vector.extract_strided_slice %get3A_522 {offsets = [0], sizes = [1], strides = [1]} : vector<16xf32> to vector<1xf32>
          %squeeze3A = vector.extract %slice3A[0] : f32 from vector<1xf32>
          %get3A_523 = arith.index_cast %scan3A_514 : i32 to index
          %get3A_524 = arith.constant 0 : index
          %get3A_525 = tpu.vector_load %arg6[%get3A_523, %get3A_524] {strides = array<i32>} : memref<101x128xf32, #tpu.memory_space<vmem>>, vector<1x16xf32>,
          %get3A_526 = vector.shape_cast %get3A_525 : vector<1x16xf32> to vector<16xf32>
          %mul3A_527 = vector.broadcast %squeeze3A : f32 to vector<16xf32>
          %mul3A_528 = arith.mulf %mul3A_527, %get3A_526 : vector<16xf32>
          %sub3A_529 = arith.constant 1 : i32
          %sub3A_530 = arith.subi %scan3A_514, %sub3A_529 : i32
          %get3A_531 = arith.index_cast %sub3A_530 : i32 to index
          %get3A_532 = arith.constant 0 : index
          %get3A_533 = tpu.vector_load %arg7[%get3A_531, %get3A_532] {strides = array<i32>} : memref<100x128xf32, #tpu.memory_space<vmem>>, vector<1x16xf32>,
          %get3A_534 = vector.shape_cast %get3A_533 : vector<1x16xf32> to vector<16xf32>
          %add3A_535 = arith.addf %mul3A_528, %get3A_534 : vector<16xf32>
          %swap3A_536 = arith.constant 0 : i32
          %swap3A_537 = arith.index_cast %swap3A_536 : i32 to index
          %swap3A_538 = arith.index_cast %scan3A_514 : i32 to index
          %swap3A_539 = arith.constant 0 : index
          %swap3A_540 = tpu.vector_load %arg9[%swap3A_537, %swap3A_538, %swap3A_539] {strides = array<i32>} : memref<2x101x128xf32, #tpu.memory_space<vmem>>, vector<1x1x16xf32>,
          %swap3A_541 = vector.shape_cast %swap3A_540 : vector<1x1x16xf32> to vector<16xf32>
          %swap3A_542 = vector.shape_cast %add3A_535 : vector<16xf32> to vector<1x1x16xf32>
          tpu.vector_store %arg9[%swap3A_537, %swap3A_538, %swap3A_539], %swap3A_542 {strides = array<i32>} : memref<2x101x128xf32, #tpu.memory_space<vmem>>, vector<1x1x16xf32>,
          %get3A_543 = arith.index_cast %scan3A_514 : i32 to index
          %get3A_544 = arith.constant 16 : index
          %get3A_545 = tpu.vector_load %arg6[%get3A_543, %get3A_544] {strides = array<i32>} : memref<101x128xf32, #tpu.memory_space<vmem>>, vector<1x16xf32>,
          %get3A_546 = vector.shape_cast %get3A_545 : vector<1x16xf32> to vector<16xf32>
          %mul3A_547 = vector.broadcast %squeeze3A : f32 to vector<16xf32>
          %mul3A_548 = arith.mulf %mul3A_547, %get3A_546 : vector<16xf32>
          %sub3A_549 = arith.constant 1 : i32
          %sub3A_550 = arith.subi %scan3A_514, %sub3A_549 : i32
          %get3A_551 = arith.index_cast %sub3A_550 : i32 to index
          %get3A_552 = arith.constant 16 : index
          %get3A_553 = tpu.vector_load %arg7[%get3A_551, %get3A_552] {strides = array<i32>} : memref<100x128xf32, #tpu.memory_space<vmem>>, vector<1x16xf32>,
          %get3A_554 = vector.shape_cast %get3A_553 : vector<1x16xf32> to vector<16xf32>
          %add3A_555 = arith.addf %mul3A_548, %get3A_554 : vector<16xf32>
          %swap3A_556 = arith.constant 0 : i32
          %swap3A_557 = arith.index_cast %swap3A_556 : i32 to index
          %swap3A_558 = arith.index_cast %scan3A_514 : i32 to index
          %swap3A_559 = arith.constant 16 : index
          %swap3A_560 = tpu.vector_load %arg9[%swap3A_557, %swap3A_558, %swap3A_559] {strides = array<i32>} : memref<2x101x128xf32, #tpu.memory_space<vmem>>, vector<1x1x16xf32>,
          %swap3A_561 = vector.shape_cast %swap3A_560 : vector<1x1x16xf32> to vector<16xf32>
          %swap3A_562 = vector.shape_cast %add3A_555 : vector<16xf32> to vector<1x1x16xf32>
          tpu.vector_store %arg9[%swap3A_557, %swap3A_558, %swap3A_559], %swap3A_562 {strides = array<i32>} : memref<2x101x128xf32, #tpu.memory_space<vmem>>, vector<1x1x16xf32>,
          %get3A_563 = arith.index_cast %scan3A_514 : i32 to index
          %get3A_564 = arith.constant 32 : index
          %get3A_565 = tpu.vector_load %arg6[%get3A_563, %get3A_564] {strides = array<i32>} : memref<101x128xf32, #tpu.memory_space<vmem>>, vector<1x16xf32>,
          %get3A_566 = vector.shape_cast %get3A_565 : vector<1x16xf32> to vector<16xf32>
          %mul3A_567 = vector.broadcast %squeeze3A : f32 to vector<16xf32>
          %mul3A_568 = arith.mulf %mul3A_567, %get3A_566 : vector<16xf32>
          %sub3A_569 = arith.constant 1 : i32
          %sub3A_570 = arith.subi %scan3A_514, %sub3A_569 : i32
          %get3A_571 = arith.index_cast %sub3A_570 : i32 to index
          %get3A_572 = arith.constant 32 : index
          %get3A_573 = tpu.vector_load %arg7[%get3A_571, %get3A_572] {strides = array<i32>} : memref<100x128xf32, #tpu.memory_space<vmem>>, vector<1x16xf32>,
          %get3A_574 = vector.shape_cast %get3A_573 : vector<1x16xf32> to vector<16xf32>
          %add3A_575 = arith.addf %mul3A_568, %get3A_574 : vector<16xf32>
          %swap3A_576 = arith.constant 0 : i32
          %swap3A_577 = arith.index_cast %swap3A_576 : i32 to index
          %swap3A_578 = arith.index_cast %scan3A_514 : i32 to index
          %swap3A_579 = arith.constant 32 : index
          %swap3A_580 = tpu.vector_load %arg9[%swap3A_577, %swap3A_578, %swap3A_579] {strides = array<i32>} : memref<2x101x128xf32, #tpu.memory_space<vmem>>, vector<1x1x16xf32>,
          %swap3A_581 = vector.shape_cast %swap3A_580 : vector<1x1x16xf32> to vector<16xf32>
          %swap3A_582 = vector.shape_cast %add3A_575 : vector<16xf32> to vector<1x1x16xf32>
          tpu.vector_store %arg9[%swap3A_577, %swap3A_578, %swap3A_579], %swap3A_582 {strides = array<i32>} : memref<2x101x128xf32, #tpu.memory_space<vmem>>, vector<1x1x16xf32>,
          %get3A_583 = arith.index_cast %scan3A_514 : i32 to index
          %get3A_584 = arith.constant 48 : index
          %get3A_585 = tpu.vector_load %arg6[%get3A_583, %get3A_584] {strides = array<i32>} : memref<101x128xf32, #tpu.memory_space<vmem>>, vector<1x16xf32>,
          %get3A_586 = vector.shape_cast %get3A_585 : vector<1x16xf32> to vector<16xf32>
          %mul3A_587 = vector.broadcast %squeeze3A : f32 to vector<16xf32>
          %mul3A_588 = arith.mulf %mul3A_587, %get3A_586 : vector<16xf32>
          %sub3A_589 = arith.constant 1 : i32
          %sub3A_590 = arith.subi %scan3A_514, %sub3A_589 : i32
          %get3A_591 = arith.index_cast %sub3A_590 : i32 to index
          %get3A_592 = arith.constant 48 : index
          %get3A_593 = tpu.vector_load %arg7[%get3A_591, %get3A_592] {strides = array<i32>} : memref<100x128xf32, #tpu.memory_space<vmem>>, vector<1x16xf32>,
          %get3A_594 = vector.shape_cast %get3A_593 : vector<1x16xf32> to vector<16xf32>
          %add3A_595 = arith.addf %mul3A_588, %get3A_594 : vector<16xf32>
          %swap3A_596 = arith.constant 0 : i32
          %swap3A_597 = arith.index_cast %swap3A_596 : i32 to index
          %swap3A_598 = arith.index_cast %scan3A_514 : i32 to index
          %swap3A_599 = arith.constant 48 : index
          %swap3A_600 = tpu.vector_load %arg9[%swap3A_597, %swap3A_598, %swap3A_599] {strides = array<i32>} : memref<2x101x128xf32, #tpu.memory_space<vmem>>, vector<1x1x16xf32>,
          %swap3A_601 = vector.shape_cast %swap3A_600 : vector<1x1x16xf32> to vector<16xf32>
          %swap3A_602 = vector.shape_cast %add3A_595 : vector<16xf32> to vector<1x1x16xf32>
          tpu.vector_store %arg9[%swap3A_597, %swap3A_598, %swap3A_599], %swap3A_602 {strides = array<i32>} : memref<2x101x128xf32, #tpu.memory_space<vmem>>, vector<1x1x16xf32>,
          %get3A_603 = arith.index_cast %scan3A_514 : i32 to index
          %get3A_604 = arith.constant 64 : index
          %get3A_605 = tpu.vector_load %arg6[%get3A_603, %get3A_604] {strides = array<i32>} : memref<101x128xf32, #tpu.memory_space<vmem>>, vector<1x16xf32>,
          %get3A_606 = vector.shape_cast %get3A_605 : vector<1x16xf32> to vector<16xf32>
          %mul3A_607 = vector.broadcast %squeeze3A : f32 to vector<16xf32>
          %mul3A_608 = arith.mulf %mul3A_607, %get3A_606 : vector<16xf32>
          %sub3A_609 = arith.constant 1 : i32
          %sub3A_610 = arith.subi %scan3A_514, %sub3A_609 : i32
          %get3A_611 = arith.index_cast %sub3A_610 : i32 to index
          %get3A_612 = arith.constant 64 : index
          %get3A_613 = tpu.vector_load %arg7[%get3A_611, %get3A_612] {strides = array<i32>} : memref<100x128xf32, #tpu.memory_space<vmem>>, vector<1x16xf32>,
          %get3A_614 = vector.shape_cast %get3A_613 : vector<1x16xf32> to vector<16xf32>
          %add3A_615 = arith.addf %mul3A_608, %get3A_614 : vector<16xf32>
          %swap3A_616 = arith.constant 0 : i32
          %swap3A_617 = arith.index_cast %swap3A_616 : i32 to index
          %swap3A_618 = arith.index_cast %scan3A_514 : i32 to index
          %swap3A_619 = arith.constant 64 : index
          %swap3A_620 = tpu.vector_load %arg9[%swap3A_617, %swap3A_618, %swap3A_619] {strides = array<i32>} : memref<2x101x128xf32, #tpu.memory_space<vmem>>, vector<1x1x16xf32>,
          %swap3A_621 = vector.shape_cast %swap3A_620 : vector<1x1x16xf32> to vector<16xf32>
          %swap3A_622 = vector.shape_cast %add3A_615 : vector<16xf32> to vector<1x1x16xf32>
          tpu.vector_store %arg9[%swap3A_617, %swap3A_618, %swap3A_619], %swap3A_622 {strides = array<i32>} : memref<2x101x128xf32, #tpu.memory_space<vmem>>, vector<1x1x16xf32>,
          %get3A_623 = arith.index_cast %scan3A_514 : i32 to index
          %get3A_624 = arith.constant 80 : index
          %get3A_625 = tpu.vector_load %arg6[%get3A_623, %get3A_624] {strides = array<i32>} : memref<101x128xf32, #tpu.memory_space<vmem>>, vector<1x16xf32>,
          %get3A_626 = vector.shape_cast %get3A_625 : vector<1x16xf32> to vector<16xf32>
          %mul3A_627 = vector.broadcast %squeeze3A : f32 to vector<16xf32>
          %mul3A_628 = arith.mulf %mul3A_627, %get3A_626 : vector<16xf32>
          %sub3A_629 = arith.constant 1 : i32
          %sub3A_630 = arith.subi %scan3A_514, %sub3A_629 : i32
          %get3A_631 = arith.index_cast %sub3A_630 : i32 to index
          %get3A_632 = arith.constant 80 : index
          %get3A_633 = tpu.vector_load %arg7[%get3A_631, %get3A_632] {strides = array<i32>} : memref<100x128xf32, #tpu.memory_space<vmem>>, vector<1x16xf32>,
          %get3A_634 = vector.shape_cast %get3A_633 : vector<1x16xf32> to vector<16xf32>
          %add3A_635 = arith.addf %mul3A_628, %get3A_634 : vector<16xf32>
          %swap3A_636 = arith.constant 0 : i32
          %swap3A_637 = arith.index_cast %swap3A_636 : i32 to index
          %swap3A_638 = arith.index_cast %scan3A_514 : i32 to index
          %swap3A_639 = arith.constant 80 : index
          %swap3A_640 = tpu.vector_load %arg9[%swap3A_637, %swap3A_638, %swap3A_639] {strides = array<i32>} : memref<2x101x128xf32, #tpu.memory_space<vmem>>, vector<1x1x16xf32>,
          %swap3A_641 = vector.shape_cast %swap3A_640 : vector<1x1x16xf32> to vector<16xf32>
          %swap3A_642 = vector.shape_cast %add3A_635 : vector<16xf32> to vector<1x1x16xf32>
          tpu.vector_store %arg9[%swap3A_637, %swap3A_638, %swap3A_639], %swap3A_642 {strides = array<i32>} : memref<2x101x128xf32, #tpu.memory_space<vmem>>, vector<1x1x16xf32>,
          %get3A_643 = arith.index_cast %scan3A_514 : i32 to index
          %get3A_644 = arith.constant 96 : index
          %get3A_645 = tpu.vector_load %arg6[%get3A_643, %get3A_644] {strides = array<i32>} : memref<101x128xf32, #tpu.memory_space<vmem>>, vector<1x16xf32>,
          %get3A_646 = vector.shape_cast %get3A_645 : vector<1x16xf32> to vector<16xf32>
          %mul3A_647 = vector.broadcast %squeeze3A : f32 to vector<16xf32>
          %mul3A_648 = arith.mulf %mul3A_647, %get3A_646 : vector<16xf32>
          %sub3A_649 = arith.constant 1 : i32
          %sub3A_650 = arith.subi %scan3A_514, %sub3A_649 : i32
          %get3A_651 = arith.index_cast %sub3A_650 : i32 to index
          %get3A_652 = arith.constant 96 : index
          %get3A_653 = tpu.vector_load %arg7[%get3A_651, %get3A_652] {strides = array<i32>} : memref<100x128xf32, #tpu.memory_space<vmem>>, vector<1x16xf32>,
          %get3A_654 = vector.shape_cast %get3A_653 : vector<1x16xf32> to vector<16xf32>
          %add3A_655 = arith.addf %mul3A_648, %get3A_654 : vector<16xf32>
          %swap3A_656 = arith.constant 0 : i32
          %swap3A_657 = arith.index_cast %swap3A_656 : i32 to index
          %swap3A_658 = arith.index_cast %scan3A_514 : i32 to index
          %swap3A_659 = arith.constant 96 : index
          %swap3A_660 = tpu.vector_load %arg9[%swap3A_657, %swap3A_658, %swap3A_659] {strides = array<i32>} : memref<2x101x128xf32, #tpu.memory_space<vmem>>, vector<1x1x16xf32>,
          %swap3A_661 = vector.shape_cast %swap3A_660 : vector<1x1x16xf32> to vector<16xf32>
          %swap3A_662 = vector.shape_cast %add3A_655 : vector<16xf32> to vector<1x1x16xf32>
          tpu.vector_store %arg9[%swap3A_657, %swap3A_658, %swap3A_659], %swap3A_662 {strides = array<i32>} : memref<2x101x128xf32, #tpu.memory_space<vmem>>, vector<1x1x16xf32>,
          %get3A_663 = arith.index_cast %scan3A_514 : i32 to index
          %get3A_664 = arith.constant 112 : index
          %get3A_665 = tpu.vector_load %arg6[%get3A_663, %get3A_664] {strides = array<i32>} : memref<101x128xf32, #tpu.memory_space<vmem>>, vector<1x16xf32>,
          %get3A_666 = vector.shape_cast %get3A_665 : vector<1x16xf32> to vector<16xf32>
          %mul3A_667 = vector.broadcast %squeeze3A : f32 to vector<16xf32>
          %mul3A_668 = arith.mulf %mul3A_667, %get3A_666 : vector<16xf32>
          %sub3A_669 = arith.constant 1 : i32
          %sub3A_670 = arith.subi %scan3A_514, %sub3A_669 : i32
          %get3A_671 = arith.index_cast %sub3A_670 : i32 to index
          %get3A_672 = arith.constant 112 : index
          %get3A_673 = tpu.vector_load %arg7[%get3A_671, %get3A_672] {strides = array<i32>} : memref<100x128xf32, #tpu.memory_space<vmem>>, vector<1x16xf32>,
          %get3A_674 = vector.shape_cast %get3A_673 : vector<1x16xf32> to vector<16xf32>
          %add3A_675 = arith.addf %mul3A_668, %get3A_674 : vector<16xf32>
          %swap3A_676 = arith.constant 0 : i32
          %swap3A_677 = arith.index_cast %swap3A_676 : i32 to index
          %swap3A_678 = arith.index_cast %scan3A_514 : i32 to index
          %swap3A_679 = arith.constant 112 : index
          %swap3A_680 = tpu.vector_load %arg9[%swap3A_677, %swap3A_678, %swap3A_679] {strides = array<i32>} : memref<2x101x128xf32, #tpu.memory_space<vmem>>, vector<1x1x16xf32>,
          %swap3A_681 = vector.shape_cast %swap3A_680 : vector<1x1x16xf32> to vector<16xf32>
          %swap3A_682 = vector.shape_cast %add3A_675 : vector<16xf32> to vector<1x1x16xf32>
          tpu.vector_store %arg9[%swap3A_677, %swap3A_678, %swap3A_679], %swap3A_682 {strides = array<i32>} : memref<2x101x128xf32, #tpu.memory_space<vmem>>, vector<1x1x16xf32>,
          %add3A_683 = arith.constant 1 : i32
          %add3A_684 = arith.addi %mul3A_56, %add3A_683 : i32
          %sub3A_685 = arith.constant 1 : i32
          %sub3A_686 = arith.subi %scan3A_514, %sub3A_685 : i32
          %get3A_687 = arith.index_cast %add3A_684 : i32 to index
          %get3A_688 = arith.index_cast %sub3A_686 : i32 to index
          %get3A_689 = tpu.vector_load %arg8[%get3A_687, %get3A_688] {strides = array<i32>} : memref<16x128xf32, #tpu.memory_space<vmem>>, vector<1x16xf32>,
          %get3A_690 = vector.shape_cast %get3A_689 : vector<1x16xf32> to vector<16xf32>
          %slice3A_691 = vector.extract_strided_slice %get3A_690 {offsets = [0], sizes = [1], strides = [1]} : vector<16xf32> to vector<1xf32>
          %squeeze3A_692 = vector.extract %slice3A_691[0] : f32 from vector<1xf32>
          %get3A_693 = arith.index_cast %scan3A_514 : i32 to index
          %get3A_694 = arith.constant 0 : index
          %get3A_695 = tpu.vector_load %arg6[%get3A_693, %get3A_694] {strides = array<i32>} : memref<101x128xf32, #tpu.memory_space<vmem>>, vector<1x16xf32>,
          %get3A_696 = vector.shape_cast %get3A_695 : vector<1x16xf32> to vector<16xf32>
          %mul3A_697 = vector.broadcast %squeeze3A_692 : f32 to vector<16xf32>
          %mul3A_698 = arith.mulf %mul3A_697, %get3A_696 : vector<16xf32>
          %sub3A_699 = arith.constant 1 : i32
          %sub3A_700 = arith.subi %scan3A_514, %sub3A_699 : i32
          %get3A_701 = arith.index_cast %sub3A_700 : i32 to index
          %get3A_702 = arith.constant 0 : index
          %get3A_703 = tpu.vector_load %arg7[%get3A_701, %get3A_702] {strides = array<i32>} : memref<100x128xf32, #tpu.memory_space<vmem>>, vector<1x16xf32>,
          %get3A_704 = vector.shape_cast %get3A_703 : vector<1x16xf32> to vector<16xf32>
          %add3A_705 = arith.addf %mul3A_698, %get3A_704 : vector<16xf32>
          %swap3A_706 = arith.constant 1 : i32
          %swap3A_707 = arith.index_cast %swap3A_706 : i32 to index
          %swap3A_708 = arith.index_cast %scan3A_514 : i32 to index
          %swap3A_709 = arith.constant 0 : index
          %swap3A_710 = tpu.vector_load %arg9[%swap3A_707, %swap3A_708, %swap3A_709] {strides = array<i32>} : memref<2x101x128xf32, #tpu.memory_space<vmem>>, vector<1x1x16xf32>,
          %swap3A_711 = vector.shape_cast %swap3A_710 : vector<1x1x16xf32> to vector<16xf32>
          %swap3A_712 = vector.shape_cast %add3A_705 : vector<16xf32> to vector<1x1x16xf32>
          tpu.vector_store %arg9[%swap3A_707, %swap3A_708, %swap3A_709], %swap3A_712 {strides = array<i32>} : memref<2x101x128xf32, #tpu.memory_space<vmem>>, vector<1x1x16xf32>,
          %get3A_713 = arith.index_cast %scan3A_514 : i32 to index
          %get3A_714 = arith.constant 16 : index
          %get3A_715 = tpu.vector_load %arg6[%get3A_713, %get3A_714] {strides = array<i32>} : memref<101x128xf32, #tpu.memory_space<vmem>>, vector<1x16xf32>,
          %get3A_716 = vector.shape_cast %get3A_715 : vector<1x16xf32> to vector<16xf32>
          %mul3A_717 = vector.broadcast %squeeze3A_692 : f32 to vector<16xf32>
          %mul3A_718 = arith.mulf %mul3A_717, %get3A_716 : vector<16xf32>
          %sub3A_719 = arith.constant 1 : i32
          %sub3A_720 = arith.subi %scan3A_514, %sub3A_719 : i32
          %get3A_721 = arith.index_cast %sub3A_720 : i32 to index
          %get3A_722 = arith.constant 16 : index
          %get3A_723 = tpu.vector_load %arg7[%get3A_721, %get3A_722] {strides = array<i32>} : memref<100x128xf32, #tpu.memory_space<vmem>>, vector<1x16xf32>,
          %get3A_724 = vector.shape_cast %get3A_723 : vector<1x16xf32> to vector<16xf32>
          %add3A_725 = arith.addf %mul3A_718, %get3A_724 : vector<16xf32>
          %swap3A_726 = arith.constant 1 : i32
          %swap3A_727 = arith.index_cast %swap3A_726 : i32 to index
          %swap3A_728 = arith.index_cast %scan3A_514 : i32 to index
          %swap3A_729 = arith.constant 16 : index
          %swap3A_730 = tpu.vector_load %arg9[%swap3A_727, %swap3A_728, %swap3A_729] {strides = array<i32>} : memref<2x101x128xf32, #tpu.memory_space<vmem>>, vector<1x1x16xf32>,
          %swap3A_731 = vector.shape_cast %swap3A_730 : vector<1x1x16xf32> to vector<16xf32>
          %swap3A_732 = vector.shape_cast %add3A_725 : vector<16xf32> to vector<1x1x16xf32>
          tpu.vector_store %arg9[%swap3A_727, %swap3A_728, %swap3A_729], %swap3A_732 {strides = array<i32>} : memref<2x101x128xf32, #tpu.memory_space<vmem>>, vector<1x1x16xf32>,
          %get3A_733 = arith.index_cast %scan3A_514 : i32 to index
          %get3A_734 = arith.constant 32 : index
          %get3A_735 = tpu.vector_load %arg6[%get3A_733, %get3A_734] {strides = array<i32>} : memref<101x128xf32, #tpu.memory_space<vmem>>, vector<1x16xf32>,
          %get3A_736 = vector.shape_cast %get3A_735 : vector<1x16xf32> to vector<16xf32>
          %mul3A_737 = vector.broadcast %squeeze3A_692 : f32 to vector<16xf32>
          %mul3A_738 = arith.mulf %mul3A_737, %get3A_736 : vector<16xf32>
          %sub3A_739 = arith.constant 1 : i32
          %sub3A_740 = arith.subi %scan3A_514, %sub3A_739 : i32
          %get3A_741 = arith.index_cast %sub3A_740 : i32 to index
          %get3A_742 = arith.constant 32 : index
          %get3A_743 = tpu.vector_load %arg7[%get3A_741, %get3A_742] {strides = array<i32>} : memref<100x128xf32, #tpu.memory_space<vmem>>, vector<1x16xf32>,
          %get3A_744 = vector.shape_cast %get3A_743 : vector<1x16xf32> to vector<16xf32>
          %add3A_745 = arith.addf %mul3A_738, %get3A_744 : vector<16xf32>
          %swap3A_746 = arith.constant 1 : i32
          %swap3A_747 = arith.index_cast %swap3A_746 : i32 to index
          %swap3A_748 = arith.index_cast %scan3A_514 : i32 to index
          %swap3A_749 = arith.constant 32 : index
          %swap3A_750 = tpu.vector_load %arg9[%swap3A_747, %swap3A_748, %swap3A_749] {strides = array<i32>} : memref<2x101x128xf32, #tpu.memory_space<vmem>>, vector<1x1x16xf32>,
          %swap3A_751 = vector.shape_cast %swap3A_750 : vector<1x1x16xf32> to vector<16xf32>
          %swap3A_752 = vector.shape_cast %add3A_745 : vector<16xf32> to vector<1x1x16xf32>
          tpu.vector_store %arg9[%swap3A_747, %swap3A_748, %swap3A_749], %swap3A_752 {strides = array<i32>} : memref<2x101x128xf32, #tpu.memory_space<vmem>>, vector<1x1x16xf32>,
          %get3A_753 = arith.index_cast %scan3A_514 : i32 to index
          %get3A_754 = arith.constant 48 : index
          %get3A_755 = tpu.vector_load %arg6[%get3A_753, %get3A_754] {strides = array<i32>} : memref<101x128xf32, #tpu.memory_space<vmem>>, vector<1x16xf32>,
          %get3A_756 = vector.shape_cast %get3A_755 : vector<1x16xf32> to vector<16xf32>
          %mul3A_757 = vector.broadcast %squeeze3A_692 : f32 to vector<16xf32>
          %mul3A_758 = arith.mulf %mul3A_757, %get3A_756 : vector<16xf32>
          %sub3A_759 = arith.constant 1 : i32
          %sub3A_760 = arith.subi %scan3A_514, %sub3A_759 : i32
          %get3A_761 = arith.index_cast %sub3A_760 : i32 to index
          %get3A_762 = arith.constant 48 : index
          %get3A_763 = tpu.vector_load %arg7[%get3A_761, %get3A_762] {strides = array<i32>} : memref<100x128xf32, #tpu.memory_space<vmem>>, vector<1x16xf32>,
          %get3A_764 = vector.shape_cast %get3A_763 : vector<1x16xf32> to vector<16xf32>
          %add3A_765 = arith.addf %mul3A_758, %get3A_764 : vector<16xf32>
          %swap3A_766 = arith.constant 1 : i32
          %swap3A_767 = arith.index_cast %swap3A_766 : i32 to index
          %swap3A_768 = arith.index_cast %scan3A_514 : i32 to index
          %swap3A_769 = arith.constant 48 : index
          %swap3A_770 = tpu.vector_load %arg9[%swap3A_767, %swap3A_768, %swap3A_769] {strides = array<i32>} : memref<2x101x128xf32, #tpu.memory_space<vmem>>, vector<1x1x16xf32>,
          %swap3A_771 = vector.shape_cast %swap3A_770 : vector<1x1x16xf32> to vector<16xf32>
          %swap3A_772 = vector.shape_cast %add3A_765 : vector<16xf32> to vector<1x1x16xf32>
          tpu.vector_store %arg9[%swap3A_767, %swap3A_768, %swap3A_769], %swap3A_772 {strides = array<i32>} : memref<2x101x128xf32, #tpu.memory_space<vmem>>, vector<1x1x16xf32>,
          %get3A_773 = arith.index_cast %scan3A_514 : i32 to index
          %get3A_774 = arith.constant 64 : index
          %get3A_775 = tpu.vector_load %arg6[%get3A_773, %get3A_774] {strides = array<i32>} : memref<101x128xf32, #tpu.memory_space<vmem>>, vector<1x16xf32>,
          %get3A_776 = vector.shape_cast %get3A_775 : vector<1x16xf32> to vector<16xf32>
          %mul3A_777 = vector.broadcast %squeeze3A_692 : f32 to vector<16xf32>
          %mul3A_778 = arith.mulf %mul3A_777, %get3A_776 : vector<16xf32>
          %sub3A_779 = arith.constant 1 : i32
          %sub3A_780 = arith.subi %scan3A_514, %sub3A_779 : i32
          %get3A_781 = arith.index_cast %sub3A_780 : i32 to index
          %get3A_782 = arith.constant 64 : index
          %get3A_783 = tpu.vector_load %arg7[%get3A_781, %get3A_782] {strides = array<i32>} : memref<100x128xf32, #tpu.memory_space<vmem>>, vector<1x16xf32>,
          %get3A_784 = vector.shape_cast %get3A_783 : vector<1x16xf32> to vector<16xf32>
          %add3A_785 = arith.addf %mul3A_778, %get3A_784 : vector<16xf32>
          %swap3A_786 = arith.constant 1 : i32
          %swap3A_787 = arith.index_cast %swap3A_786 : i32 to index
          %swap3A_788 = arith.index_cast %scan3A_514 : i32 to index
          %swap3A_789 = arith.constant 64 : index
          %swap3A_790 = tpu.vector_load %arg9[%swap3A_787, %swap3A_788, %swap3A_789] {strides = array<i32>} : memref<2x101x128xf32, #tpu.memory_space<vmem>>, vector<1x1x16xf32>,
          %swap3A_791 = vector.shape_cast %swap3A_790 : vector<1x1x16xf32> to vector<16xf32>
          %swap3A_792 = vector.shape_cast %add3A_785 : vector<16xf32> to vector<1x1x16xf32>
          tpu.vector_store %arg9[%swap3A_787, %swap3A_788, %swap3A_789], %swap3A_792 {strides = array<i32>} : memref<2x101x128xf32, #tpu.memory_space<vmem>>, vector<1x1x16xf32>,
          %get3A_793 = arith.index_cast %scan3A_514 : i32 to index
          %get3A_794 = arith.constant 80 : index
          %get3A_795 = tpu.vector_load %arg6[%get3A_793, %get3A_794] {strides = array<i32>} : memref<101x128xf32, #tpu.memory_space<vmem>>, vector<1x16xf32>,
          %get3A_796 = vector.shape_cast %get3A_795 : vector<1x16xf32> to vector<16xf32>
          %mul3A_797 = vector.broadcast %squeeze3A_692 : f32 to vector<16xf32>
          %mul3A_798 = arith.mulf %mul3A_797, %get3A_796 : vector<16xf32>
          %sub3A_799 = arith.constant 1 : i32
          %sub3A_800 = arith.subi %scan3A_514, %sub3A_799 : i32
          %get3A_801 = arith.index_cast %sub3A_800 : i32 to index
          %get3A_802 = arith.constant 80 : index
          %get3A_803 = tpu.vector_load %arg7[%get3A_801, %get3A_802] {strides = array<i32>} : memref<100x128xf32, #tpu.memory_space<vmem>>, vector<1x16xf32>,
          %get3A_804 = vector.shape_cast %get3A_803 : vector<1x16xf32> to vector<16xf32>
          %add3A_805 = arith.addf %mul3A_798, %get3A_804 : vector<16xf32>
          %swap3A_806 = arith.constant 1 : i32
          %swap3A_807 = arith.index_cast %swap3A_806 : i32 to index
          %swap3A_808 = arith.index_cast %scan3A_514 : i32 to index
          %swap3A_809 = arith.constant 80 : index
          %swap3A_810 = tpu.vector_load %arg9[%swap3A_807, %swap3A_808, %swap3A_809] {strides = array<i32>} : memref<2x101x128xf32, #tpu.memory_space<vmem>>, vector<1x1x16xf32>,
          %swap3A_811 = vector.shape_cast %swap3A_810 : vector<1x1x16xf32> to vector<16xf32>
          %swap3A_812 = vector.shape_cast %add3A_805 : vector<16xf32> to vector<1x1x16xf32>
          tpu.vector_store %arg9[%swap3A_807, %swap3A_808, %swap3A_809], %swap3A_812 {strides = array<i32>} : memref<2x101x128xf32, #tpu.memory_space<vmem>>, vector<1x1x16xf32>,
          %get3A_813 = arith.index_cast %scan3A_514 : i32 to index
          %get3A_814 = arith.constant 96 : index
          %get3A_815 = tpu.vector_load %arg6[%get3A_813, %get3A_814] {strides = array<i32>} : memref<101x128xf32, #tpu.memory_space<vmem>>, vector<1x16xf32>,
          %get3A_816 = vector.shape_cast %get3A_815 : vector<1x16xf32> to vector<16xf32>
          %mul3A_817 = vector.broadcast %squeeze3A_692 : f32 to vector<16xf32>
          %mul3A_818 = arith.mulf %mul3A_817, %get3A_816 : vector<16xf32>
          %sub3A_819 = arith.constant 1 : i32
          %sub3A_820 = arith.subi %scan3A_514, %sub3A_819 : i32
          %get3A_821 = arith.index_cast %sub3A_820 : i32 to index
          %get3A_822 = arith.constant 96 : index
          %get3A_823 = tpu.vector_load %arg7[%get3A_821, %get3A_822] {strides = array<i32>} : memref<100x128xf32, #tpu.memory_space<vmem>>, vector<1x16xf32>,
          %get3A_824 = vector.shape_cast %get3A_823 : vector<1x16xf32> to vector<16xf32>
          %add3A_825 = arith.addf %mul3A_818, %get3A_824 : vector<16xf32>
          %swap3A_826 = arith.constant 1 : i32
          %swap3A_827 = arith.index_cast %swap3A_826 : i32 to index
          %swap3A_828 = arith.index_cast %scan3A_514 : i32 to index
          %swap3A_829 = arith.constant 96 : index
          %swap3A_830 = tpu.vector_load %arg9[%swap3A_827, %swap3A_828, %swap3A_829] {strides = array<i32>} : memref<2x101x128xf32, #tpu.memory_space<vmem>>, vector<1x1x16xf32>,
          %swap3A_831 = vector.shape_cast %swap3A_830 : vector<1x1x16xf32> to vector<16xf32>
          %swap3A_832 = vector.shape_cast %add3A_825 : vector<16xf32> to vector<1x1x16xf32>
          tpu.vector_store %arg9[%swap3A_827, %swap3A_828, %swap3A_829], %swap3A_832 {strides = array<i32>} : memref<2x101x128xf32, #tpu.memory_space<vmem>>, vector<1x1x16xf32>,
          %get3A_833 = arith.index_cast %scan3A_514 : i32 to index
          %get3A_834 = arith.constant 112 : index
          %get3A_835 = tpu.vector_load %arg6[%get3A_833, %get3A_834] {strides = array<i32>} : memref<101x128xf32, #tpu.memory_space<vmem>>, vector<1x16xf32>,
          %get3A_836 = vector.shape_cast %get3A_835 : vector<1x16xf32> to vector<16xf32>
          %mul3A_837 = vector.broadcast %squeeze3A_692 : f32 to vector<16xf32>
          %mul3A_838 = arith.mulf %mul3A_837, %get3A_836 : vector<16xf32>
          %sub3A_839 = arith.constant 1 : i32
          %sub3A_840 = arith.subi %scan3A_514, %sub3A_839 : i32
          %get3A_841 = arith.index_cast %sub3A_840 : i32 to index
          %get3A_842 = arith.constant 112 : index
          %get3A_843 = tpu.vector_load %arg7[%get3A_841, %get3A_842] {strides = array<i32>} : memref<100x128xf32, #tpu.memory_space<vmem>>, vector<1x16xf32>,
          %get3A_844 = vector.shape_cast %get3A_843 : vector<1x16xf32> to vector<16xf32>
          %add3A_845 = arith.addf %mul3A_838, %get3A_844 : vector<16xf32>
          %swap3A_846 = arith.constant 1 : i32
          %swap3A_847 = arith.index_cast %swap3A_846 : i32 to index
          %swap3A_848 = arith.index_cast %scan3A_514 : i32 to index
          %swap3A_849 = arith.constant 112 : index
          %swap3A_850 = tpu.vector_load %arg9[%swap3A_847, %swap3A_848, %swap3A_849] {strides = array<i32>} : memref<2x101x128xf32, #tpu.memory_space<vmem>>, vector<1x1x16xf32>,
          %swap3A_851 = vector.shape_cast %swap3A_850 : vector<1x1x16xf32> to vector<16xf32>
          %swap3A_852 = vector.shape_cast %add3A_845 : vector<16xf32> to vector<1x1x16xf32>
          tpu.vector_store %arg9[%swap3A_847, %swap3A_848, %swap3A_849], %swap3A_852 {strides = array<i32>} : memref<2x101x128xf32, #tpu.memory_space<vmem>>, vector<1x1x16xf32>,
        }
        %scan3A_62 = arith.constant 100 : i32
        %get3A = arith.constant 0 : i32
        %get3A_63 = arith.index_cast %get3A : i32 to index
        %get3A_64 = arith.constant 0 : index
        %get3A_65 = tpu.vector_load %arg6[%get3A_63, %get3A_64] {strides = array<i32>} : memref<101x128xf32, #tpu.memory_space<vmem>>, vector<1x16xf32>,
        %get3A_66 = vector.shape_cast %get3A_65 : vector<1x16xf32> to vector<16xf32>
        %swap3A = arith.constant 0 : i32
        %swap3A_67 = arith.constant 0 : i32
        %swap3A_68 = arith.index_cast %swap3A : i32 to index
        %swap3A_69 = arith.index_cast %swap3A_67 : i32 to index
        %swap3A_70 = arith.constant 0 : index
        %swap3A_71 = tpu.vector_load %arg9[%swap3A_68, %swap3A_69, %swap3A_70] {strides = array<i32>} : memref<2x101x128xf32, #tpu.memory_space<vmem>>, vector<1x1x16xf32>,
        %swap3A_72 = vector.shape_cast %swap3A_71 : vector<1x1x16xf32> to vector<16xf32>
        %swap3A_73 = vector.shape_cast %get3A_66 : vector<16xf32> to vector<1x1x16xf32>
        tpu.vector_store %arg9[%swap3A_68, %swap3A_69, %swap3A_70], %swap3A_73 {strides = array<i32>} : memref<2x101x128xf32, #tpu.memory_space<vmem>>, vector<1x1x16xf32>,
        %get3A_74 = arith.constant 0 : i32
        %get3A_75 = arith.index_cast %get3A_74 : i32 to index
        %get3A_76 = arith.constant 16 : index
        %get3A_77 = tpu.vector_load %arg6[%get3A_75, %get3A_76] {strides = array<i32>} : memref<101x128xf32, #tpu.memory_space<vmem>>, vector<1x16xf32>,
        %get3A_78 = vector.shape_cast %get3A_77 : vector<1x16xf32> to vector<16xf32>
        %swap3A_79 = arith.constant 0 : i32
        %swap3A_80 = arith.constant 0 : i32
        %swap3A_81 = arith.index_cast %swap3A_79 : i32 to index
        %swap3A_82 = arith.index_cast %swap3A_80 : i32 to index
        %swap3A_83 = arith.constant 16 : index
        %swap3A_84 = tpu.vector_load %arg9[%swap3A_81, %swap3A_82, %swap3A_83] {strides = array<i32>} : memref<2x101x128xf32, #tpu.memory_space<vmem>>, vector<1x1x16xf32>,
        %swap3A_85 = vector.shape_cast %swap3A_84 : vector<1x1x16xf32> to vector<16xf32>
        %swap3A_86 = vector.shape_cast %get3A_78 : vector<16xf32> to vector<1x1x16xf32>
        tpu.vector_store %arg9[%swap3A_81, %swap3A_82, %swap3A_83], %swap3A_86 {strides = array<i32>} : memref<2x101x128xf32, #tpu.memory_space<vmem>>, vector<1x1x16xf32>,
        %get3A_87 = arith.constant 0 : i32
        %get3A_88 = arith.index_cast %get3A_87 : i32 to index
        %get3A_89 = arith.constant 32 : index
        %get3A_90 = tpu.vector_load %arg6[%get3A_88, %get3A_89] {strides = array<i32>} : memref<101x128xf32, #tpu.memory_space<vmem>>, vector<1x16xf32>,
        %get3A_91 = vector.shape_cast %get3A_90 : vector<1x16xf32> to vector<16xf32>
        %swap3A_92 = arith.constant 0 : i32
        %swap3A_93 = arith.constant 0 : i32
        %swap3A_94 = arith.index_cast %swap3A_92 : i32 to index
        %swap3A_95 = arith.index_cast %swap3A_93 : i32 to index
        %swap3A_96 = arith.constant 32 : index
        %swap3A_97 = tpu.vector_load %arg9[%swap3A_94, %swap3A_95, %swap3A_96] {strides = array<i32>} : memref<2x101x128xf32, #tpu.memory_space<vmem>>, vector<1x1x16xf32>,
        %swap3A_98 = vector.shape_cast %swap3A_97 : vector<1x1x16xf32> to vector<16xf32>
        %swap3A_99 = vector.shape_cast %get3A_91 : vector<16xf32> to vector<1x1x16xf32>
        tpu.vector_store %arg9[%swap3A_94, %swap3A_95, %swap3A_96], %swap3A_99 {strides = array<i32>} : memref<2x101x128xf32, #tpu.memory_space<vmem>>, vector<1x1x16xf32>,
        %get3A_100 = arith.constant 0 : i32
        %get3A_101 = arith.index_cast %get3A_100 : i32 to index
        %get3A_102 = arith.constant 48 : index
        %get3A_103 = tpu.vector_load %arg6[%get3A_101, %get3A_102] {strides = array<i32>} : memref<101x128xf32, #tpu.memory_space<vmem>>, vector<1x16xf32>,
        %get3A_104 = vector.shape_cast %get3A_103 : vector<1x16xf32> to vector<16xf32>
        %swap3A_105 = arith.constant 0 : i32
        %swap3A_106 = arith.constant 0 : i32
        %swap3A_107 = arith.index_cast %swap3A_105 : i32 to index
        %swap3A_108 = arith.index_cast %swap3A_106 : i32 to index
        %swap3A_109 = arith.constant 48 : index
        %swap3A_110 = tpu.vector_load %arg9[%swap3A_107, %swap3A_108, %swap3A_109] {strides = array<i32>} : memref<2x101x128xf32, #tpu.memory_space<vmem>>, vector<1x1x16xf32>,
        %swap3A_111 = vector.shape_cast %swap3A_110 : vector<1x1x16xf32> to vector<16xf32>
        %swap3A_112 = vector.shape_cast %get3A_104 : vector<16xf32> to vector<1x1x16xf32>
        tpu.vector_store %arg9[%swap3A_107, %swap3A_108, %swap3A_109], %swap3A_112 {strides = array<i32>} : memref<2x101x128xf32, #tpu.memory_space<vmem>>, vector<1x1x16xf32>,
        %get3A_113 = arith.constant 0 : i32
        %get3A_114 = arith.index_cast %get3A_113 : i32 to index
        %get3A_115 = arith.constant 64 : index
        %get3A_116 = tpu.vector_load %arg6[%get3A_114, %get3A_115] {strides = array<i32>} : memref<101x128xf32, #tpu.memory_space<vmem>>, vector<1x16xf32>,
        %get3A_117 = vector.shape_cast %get3A_116 : vector<1x16xf32> to vector<16xf32>
        %swap3A_118 = arith.constant 0 : i32
        %swap3A_119 = arith.constant 0 : i32
        %swap3A_120 = arith.index_cast %swap3A_118 : i32 to index
        %swap3A_121 = arith.index_cast %swap3A_119 : i32 to index
        %swap3A_122 = arith.constant 64 : index
        %swap3A_123 = tpu.vector_load %arg9[%swap3A_120, %swap3A_121, %swap3A_122] {strides = array<i32>} : memref<2x101x128xf32, #tpu.memory_space<vmem>>, vector<1x1x16xf32>,
        %swap3A_124 = vector.shape_cast %swap3A_123 : vector<1x1x16xf32> to vector<16xf32>
        %swap3A_125 = vector.shape_cast %get3A_117 : vector<16xf32> to vector<1x1x16xf32>
        tpu.vector_store %arg9[%swap3A_120, %swap3A_121, %swap3A_122], %swap3A_125 {strides = array<i32>} : memref<2x101x128xf32, #tpu.memory_space<vmem>>, vector<1x1x16xf32>,
        %get3A_126 = arith.constant 0 : i32
        %get3A_127 = arith.index_cast %get3A_126 : i32 to index
        %get3A_128 = arith.constant 80 : index
        %get3A_129 = tpu.vector_load %arg6[%get3A_127, %get3A_128] {strides = array<i32>} : memref<101x128xf32, #tpu.memory_space<vmem>>, vector<1x16xf32>,
        %get3A_130 = vector.shape_cast %get3A_129 : vector<1x16xf32> to vector<16xf32>
        %swap3A_131 = arith.constant 0 : i32
        %swap3A_132 = arith.constant 0 : i32
        %swap3A_133 = arith.index_cast %swap3A_131 : i32 to index
        %swap3A_134 = arith.index_cast %swap3A_132 : i32 to index
        %swap3A_135 = arith.constant 80 : index
        %swap3A_136 = tpu.vector_load %arg9[%swap3A_133, %swap3A_134, %swap3A_135] {strides = array<i32>} : memref<2x101x128xf32, #tpu.memory_space<vmem>>, vector<1x1x16xf32>,
        %swap3A_137 = vector.shape_cast %swap3A_136 : vector<1x1x16xf32> to vector<16xf32>
        %swap3A_138 = vector.shape_cast %get3A_130 : vector<16xf32> to vector<1x1x16xf32>
        tpu.vector_store %arg9[%swap3A_133, %swap3A_134, %swap3A_135], %swap3A_138 {strides = array<i32>} : memref<2x101x128xf32, #tpu.memory_space<vmem>>, vector<1x1x16xf32>,
        %get3A_139 = arith.constant 0 : i32
        %get3A_140 = arith.index_cast %get3A_139 : i32 to index
        %get3A_141 = arith.constant 96 : index
        %get3A_142 = tpu.vector_load %arg6[%get3A_140, %get3A_141] {strides = array<i32>} : memref<101x128xf32, #tpu.memory_space<vmem>>, vector<1x16xf32>,
        %get3A_143 = vector.shape_cast %get3A_142 : vector<1x16xf32> to vector<16xf32>
        %swap3A_144 = arith.constant 0 : i32
        %swap3A_145 = arith.constant 0 : i32
        %swap3A_146 = arith.index_cast %swap3A_144 : i32 to index
        %swap3A_147 = arith.index_cast %swap3A_145 : i32 to index
        %swap3A_148 = arith.constant 96 : index
        %swap3A_149 = tpu.vector_load %arg9[%swap3A_146, %swap3A_147, %swap3A_148] {strides = array<i32>} : memref<2x101x128xf32, #tpu.memory_space<vmem>>, vector<1x1x16xf32>,
        %swap3A_150 = vector.shape_cast %swap3A_149 : vector<1x1x16xf32> to vector<16xf32>
        %swap3A_151 = vector.shape_cast %get3A_143 : vector<16xf32> to vector<1x1x16xf32>
        tpu.vector_store %arg9[%swap3A_146, %swap3A_147, %swap3A_148], %swap3A_151 {strides = array<i32>} : memref<2x101x128xf32, #tpu.memory_space<vmem>>, vector<1x1x16xf32>,
        %get3A_152 = arith.constant 0 : i32
        %get3A_153 = arith.index_cast %get3A_152 : i32 to index
        %get3A_154 = arith.constant 112 : index
        %get3A_155 = tpu.vector_load %arg6[%get3A_153, %get3A_154] {strides = array<i32>} : memref<101x128xf32, #tpu.memory_space<vmem>>, vector<1x16xf32>,
        %get3A_156 = vector.shape_cast %get3A_155 : vector<1x16xf32> to vector<16xf32>
        %swap3A_157 = arith.constant 0 : i32
        %swap3A_158 = arith.constant 0 : i32
        %swap3A_159 = arith.index_cast %swap3A_157 : i32 to index
        %swap3A_160 = arith.index_cast %swap3A_158 : i32 to index
        %swap3A_161 = arith.constant 112 : index
        %swap3A_162 = tpu.vector_load %arg9[%swap3A_159, %swap3A_160, %swap3A_161] {strides = array<i32>} : memref<2x101x128xf32, #tpu.memory_space<vmem>>, vector<1x1x16xf32>,
        %swap3A_163 = vector.shape_cast %swap3A_162 : vector<1x1x16xf32> to vector<16xf32>
        %swap3A_164 = vector.shape_cast %get3A_156 : vector<16xf32> to vector<1x1x16xf32>
        tpu.vector_store %arg9[%swap3A_159, %swap3A_160, %swap3A_161], %swap3A_164 {strides = array<i32>} : memref<2x101x128xf32, #tpu.memory_space<vmem>>, vector<1x1x16xf32>,
        %get3A_165 = arith.constant 0 : i32
        %get3A_166 = arith.index_cast %get3A_165 : i32 to index
        %get3A_167 = arith.constant 0 : index
        %get3A_168 = tpu.vector_load %arg6[%get3A_166, %get3A_167] {strides = array<i32>} : memref<101x128xf32, #tpu.memory_space<vmem>>, vector<1x16xf32>,
        %get3A_169 = vector.shape_cast %get3A_168 : vector<1x16xf32> to vector<16xf32>
        %swap3A_170 = arith.constant 1 : i32
        %swap3A_171 = arith.constant 0 : i32
        %swap3A_172 = arith.index_cast %swap3A_170 : i32 to index
        %swap3A_173 = arith.index_cast %swap3A_171 : i32 to index
        %swap3A_174 = arith.constant 0 : index
        %swap3A_175 = tpu.vector_load %arg9[%swap3A_172, %swap3A_173, %swap3A_174] {strides = array<i32>} : memref<2x101x128xf32, #tpu.memory_space<vmem>>, vector<1x1x16xf32>,
        %swap3A_176 = vector.shape_cast %swap3A_175 : vector<1x1x16xf32> to vector<16xf32>
        %swap3A_177 = vector.shape_cast %get3A_169 : vector<16xf32> to vector<1x1x16xf32>
        tpu.vector_store %arg9[%swap3A_172, %swap3A_173, %swap3A_174], %swap3A_177 {strides = array<i32>} : memref<2x101x128xf32, #tpu.memory_space<vmem>>, vector<1x1x16xf32>,
        %get3A_178 = arith.constant 0 : i32
        %get3A_179 = arith.index_cast %get3A_178 : i32 to index
        %get3A_180 = arith.constant 16 : index
        %get3A_181 = tpu.vector_load %arg6[%get3A_179, %get3A_180] {strides = array<i32>} : memref<101x128xf32, #tpu.memory_space<vmem>>, vector<1x16xf32>,
        %get3A_182 = vector.shape_cast %get3A_181 : vector<1x16xf32> to vector<16xf32>
        %swap3A_183 = arith.constant 1 : i32
        %swap3A_184 = arith.constant 0 : i32
        %swap3A_185 = arith.index_cast %swap3A_183 : i32 to index
        %swap3A_186 = arith.index_cast %swap3A_184 : i32 to index
        %swap3A_187 = arith.constant 16 : index
        %swap3A_188 = tpu.vector_load %arg9[%swap3A_185, %swap3A_186, %swap3A_187] {strides = array<i32>} : memref<2x101x128xf32, #tpu.memory_space<vmem>>, vector<1x1x16xf32>,
        %swap3A_189 = vector.shape_cast %swap3A_188 : vector<1x1x16xf32> to vector<16xf32>
        %swap3A_190 = vector.shape_cast %get3A_182 : vector<16xf32> to vector<1x1x16xf32>
        tpu.vector_store %arg9[%swap3A_185, %swap3A_186, %swap3A_187], %swap3A_190 {strides = array<i32>} : memref<2x101x128xf32, #tpu.memory_space<vmem>>, vector<1x1x16xf32>,
        %get3A_191 = arith.constant 0 : i32
        %get3A_192 = arith.index_cast %get3A_191 : i32 to index
        %get3A_193 = arith.constant 32 : index
        %get3A_194 = tpu.vector_load %arg6[%get3A_192, %get3A_193] {strides = array<i32>} : memref<101x128xf32, #tpu.memory_space<vmem>>, vector<1x16xf32>,
        %get3A_195 = vector.shape_cast %get3A_194 : vector<1x16xf32> to vector<16xf32>
        %swap3A_196 = arith.constant 1 : i32
        %swap3A_197 = arith.constant 0 : i32
        %swap3A_198 = arith.index_cast %swap3A_196 : i32 to index
        %swap3A_199 = arith.index_cast %swap3A_197 : i32 to index
        %swap3A_200 = arith.constant 32 : index
        %swap3A_201 = tpu.vector_load %arg9[%swap3A_198, %swap3A_199, %swap3A_200] {strides = array<i32>} : memref<2x101x128xf32, #tpu.memory_space<vmem>>, vector<1x1x16xf32>,
        %swap3A_202 = vector.shape_cast %swap3A_201 : vector<1x1x16xf32> to vector<16xf32>
        %swap3A_203 = vector.shape_cast %get3A_195 : vector<16xf32> to vector<1x1x16xf32>
        tpu.vector_store %arg9[%swap3A_198, %swap3A_199, %swap3A_200], %swap3A_203 {strides = array<i32>} : memref<2x101x128xf32, #tpu.memory_space<vmem>>, vector<1x1x16xf32>,
        %get3A_204 = arith.constant 0 : i32
        %get3A_205 = arith.index_cast %get3A_204 : i32 to index
        %get3A_206 = arith.constant 48 : index
        %get3A_207 = tpu.vector_load %arg6[%get3A_205, %get3A_206] {strides = array<i32>} : memref<101x128xf32, #tpu.memory_space<vmem>>, vector<1x16xf32>,
        %get3A_208 = vector.shape_cast %get3A_207 : vector<1x16xf32> to vector<16xf32>
        %swap3A_209 = arith.constant 1 : i32
        %swap3A_210 = arith.constant 0 : i32
        %swap3A_211 = arith.index_cast %swap3A_209 : i32 to index
        %swap3A_212 = arith.index_cast %swap3A_210 : i32 to index
        %swap3A_213 = arith.constant 48 : index
        %swap3A_214 = tpu.vector_load %arg9[%swap3A_211, %swap3A_212, %swap3A_213] {strides = array<i32>} : memref<2x101x128xf32, #tpu.memory_space<vmem>>, vector<1x1x16xf32>,
        %swap3A_215 = vector.shape_cast %swap3A_214 : vector<1x1x16xf32> to vector<16xf32>
        %swap3A_216 = vector.shape_cast %get3A_208 : vector<16xf32> to vector<1x1x16xf32>
        tpu.vector_store %arg9[%swap3A_211, %swap3A_212, %swap3A_213], %swap3A_216 {strides = array<i32>} : memref<2x101x128xf32, #tpu.memory_space<vmem>>, vector<1x1x16xf32>,
        %get3A_217 = arith.constant 0 : i32
        %get3A_218 = arith.index_cast %get3A_217 : i32 to index
        %get3A_219 = arith.constant 64 : index
        %get3A_220 = tpu.vector_load %arg6[%get3A_218, %get3A_219] {strides = array<i32>} : memref<101x128xf32, #tpu.memory_space<vmem>>, vector<1x16xf32>,
        %get3A_221 = vector.shape_cast %get3A_220 : vector<1x16xf32> to vector<16xf32>
        %swap3A_222 = arith.constant 1 : i32
        %swap3A_223 = arith.constant 0 : i32
        %swap3A_224 = arith.index_cast %swap3A_222 : i32 to index
        %swap3A_225 = arith.index_cast %swap3A_223 : i32 to index
        %swap3A_226 = arith.constant 64 : index
        %swap3A_227 = tpu.vector_load %arg9[%swap3A_224, %swap3A_225, %swap3A_226] {strides = array<i32>} : memref<2x101x128xf32, #tpu.memory_space<vmem>>, vector<1x1x16xf32>,
        %swap3A_228 = vector.shape_cast %swap3A_227 : vector<1x1x16xf32> to vector<16xf32>
        %swap3A_229 = vector.shape_cast %get3A_221 : vector<16xf32> to vector<1x1x16xf32>
        tpu.vector_store %arg9[%swap3A_224, %swap3A_225, %swap3A_226], %swap3A_229 {strides = array<i32>} : memref<2x101x128xf32, #tpu.memory_space<vmem>>, vector<1x1x16xf32>,
        %get3A_230 = arith.constant 0 : i32
        %get3A_231 = arith.index_cast %get3A_230 : i32 to index
        %get3A_232 = arith.constant 80 : index
        %get3A_233 = tpu.vector_load %arg6[%get3A_231, %get3A_232] {strides = array<i32>} : memref<101x128xf32, #tpu.memory_space<vmem>>, vector<1x16xf32>,
        %get3A_234 = vector.shape_cast %get3A_233 : vector<1x16xf32> to vector<16xf32>
        %swap3A_235 = arith.constant 1 : i32
        %swap3A_236 = arith.constant 0 : i32
        %swap3A_237 = arith.index_cast %swap3A_235 : i32 to index
        %swap3A_238 = arith.index_cast %swap3A_236 : i32 to index
        %swap3A_239 = arith.constant 80 : index
        %swap3A_240 = tpu.vector_load %arg9[%swap3A_237, %swap3A_238, %swap3A_239] {strides = array<i32>} : memref<2x101x128xf32, #tpu.memory_space<vmem>>, vector<1x1x16xf32>,
        %swap3A_241 = vector.shape_cast %swap3A_240 : vector<1x1x16xf32> to vector<16xf32>
        %swap3A_242 = vector.shape_cast %get3A_234 : vector<16xf32> to vector<1x1x16xf32>
        tpu.vector_store %arg9[%swap3A_237, %swap3A_238, %swap3A_239], %swap3A_242 {strides = array<i32>} : memref<2x101x128xf32, #tpu.memory_space<vmem>>, vector<1x1x16xf32>,
        %get3A_243 = arith.constant 0 : i32
        %get3A_244 = arith.index_cast %get3A_243 : i32 to index
        %get3A_245 = arith.constant 96 : index
        %get3A_246 = tpu.vector_load %arg6[%get3A_244, %get3A_245] {strides = array<i32>} : memref<101x128xf32, #tpu.memory_space<vmem>>, vector<1x16xf32>,
        %get3A_247 = vector.shape_cast %get3A_246 : vector<1x16xf32> to vector<16xf32>
        %swap3A_248 = arith.constant 1 : i32
        %swap3A_249 = arith.constant 0 : i32
        %swap3A_250 = arith.index_cast %swap3A_248 : i32 to index
        %swap3A_251 = arith.index_cast %swap3A_249 : i32 to index
        %swap3A_252 = arith.constant 96 : index
        %swap3A_253 = tpu.vector_load %arg9[%swap3A_250, %swap3A_251, %swap3A_252] {strides = array<i32>} : memref<2x101x128xf32, #tpu.memory_space<vmem>>, vector<1x1x16xf32>,
        %swap3A_254 = vector.shape_cast %swap3A_253 : vector<1x1x16xf32> to vector<16xf32>
        %swap3A_255 = vector.shape_cast %get3A_247 : vector<16xf32> to vector<1x1x16xf32>
        tpu.vector_store %arg9[%swap3A_250, %swap3A_251, %swap3A_252], %swap3A_255 {strides = array<i32>} : memref<2x101x128xf32, #tpu.memory_space<vmem>>, vector<1x1x16xf32>,
        %get3A_256 = arith.constant 0 : i32
        %get3A_257 = arith.index_cast %get3A_256 : i32 to index
        %get3A_258 = arith.constant 112 : index
        %get3A_259 = tpu.vector_load %arg6[%get3A_257, %get3A_258] {strides = array<i32>} : memref<101x128xf32, #tpu.memory_space<vmem>>, vector<1x16xf32>,
        %get3A_260 = vector.shape_cast %get3A_259 : vector<1x16xf32> to vector<16xf32>
        %swap3A_261 = arith.constant 1 : i32
        %swap3A_262 = arith.constant 0 : i32
        %swap3A_263 = arith.index_cast %swap3A_261 : i32 to index
        %swap3A_264 = arith.index_cast %swap3A_262 : i32 to index
        %swap3A_265 = arith.constant 112 : index
        %swap3A_266 = tpu.vector_load %arg9[%swap3A_263, %swap3A_264, %swap3A_265] {strides = array<i32>} : memref<2x101x128xf32, #tpu.memory_space<vmem>>, vector<1x1x16xf32>,
        %swap3A_267 = vector.shape_cast %swap3A_266 : vector<1x1x16xf32> to vector<16xf32>
        %swap3A_268 = vector.shape_cast %get3A_260 : vector<16xf32> to vector<1x1x16xf32>
        tpu.vector_store %arg9[%swap3A_263, %swap3A_264, %swap3A_265], %swap3A_268 {strides = array<i32>} : memref<2x101x128xf32, #tpu.memory_space<vmem>>, vector<1x1x16xf32>,
        %dma_start3A = arith.constant 0 : i32
        %dma_start3A_269 = arith.constant 0 : i32
        %dma_start3A_270 = tpu.memref_slice %arg5[%add3A_50, %dma_start3A, %dma_start3A_269] : memref<16384x101x128xf32, #tpu.memory_space<hbm>> -> memref<2x101x128xf32, #tpu.memory_space<hbm>>
        %dma_start3A_271 = arith.constant 0 : i32
        %dma_start3A_272 = arith.constant 0 : i32
        %dma_start3A_273 = tpu.memref_slice %arg5[%add3A_50, %dma_start3A_271, %dma_start3A_272] : memref<16384x101x128xf32, #tpu.memory_space<hbm>> -> memref<2x101x128xf32, #tpu.memory_space<hbm>>
        tpu.enqueue_dma source(%arg9 : memref<2x101x128xf32, #tpu.memory_space<vmem>>) target(%dma_start3A_273 : memref<2x101x128xf32, #tpu.memory_space<hbm>>) target_semaphore(%arg11 : memref<!tpu.dma_semaphore, #tpu.memory_space<semaphore_mem>>)
        %mul3A_274 = arith.constant 2 : i32
        %mul3A_275 = arith.muli %scan3A_40, %mul3A_274 : i32
        %add3A_276 = arith.constant 1 : i32
        %add3A_277 = arith.addi %mul3A_275, %add3A_276 : i32
        %mul3A_278 = arith.constant 16 : i32
        %mul3A_279 = arith.muli %scan3A_28, %mul3A_278 : i32
        %add3A_280 = arith.addi %add3A_4, %mul3A_279 : i32
        %mul3A_281 = arith.constant 2 : i32
        %mul3A_282 = arith.muli %add3A_277, %mul3A_281 : i32
        %add3A_283 = arith.addi %add3A_280, %mul3A_282 : i32
        %gt3A_284 = arith.constant 0 : i32
        %gt3A_285 = arith.cmpi sgt, %scan3A_28, %gt3A_284 : i32
        %gt3A_286 = arith.constant 0 : i32
        %gt3A_287 = arith.cmpi sgt, %scan3A_40, %gt3A_286 : i32
        %or3A_288 = arith.ori %gt3A_285, %gt3A_287 : i1
        %convert_element_type3A_289 = arith.extui %or3A_288 : i1 to i32
        %cond3A_290 = arith.constant 0 : i32
        %cond3A_291 = arith.cmpi ne, %convert_element_type3A_289, %cond3A_290 : i32
        scf.if %cond3A_291 {
          %dma_wait3A_514 = arith.constant 0 : i32
          %dma_wait3A_515 = arith.constant 0 : i32
          %dma_wait3A_516 = tpu.memref_slice %arg5[%add3A_283, %dma_wait3A_514, %dma_wait3A_515] : memref<16384x101x128xf32, #tpu.memory_space<hbm>> -> memref<2x101x128xf32, #tpu.memory_space<hbm>>
          %dma_wait3A_517 = arith.constant 0 : i32
          %dma_wait3A_518 = arith.constant 0 : i32
          %dma_wait3A_519 = tpu.memref_slice %arg5[%add3A_283, %dma_wait3A_517, %dma_wait3A_518] : memref<16384x101x128xf32, #tpu.memory_space<hbm>> -> memref<2x101x128xf32, #tpu.memory_space<hbm>>
          tpu.wait_dma2 semaphore(%arg12 : memref<!tpu.dma_semaphore, #tpu.memory_space<semaphore_mem>>) src(%arg10 : memref<2x101x128xf32, #tpu.memory_space<vmem>>) dst(%dma_wait3A_519 : memref<2x101x128xf32, #tpu.memory_space<hbm>>)
        } else {
        }
        %mul3A_292 = arith.constant 2 : i32
        %mul3A_293 = arith.muli %add3A_277, %mul3A_292 : i32
        %scan3A_294 = arith.constant 0 : i32
        %scan3A_295 = arith.constant 1 : i32
        %scan3A_296 = arith.constant 100 : i32
        %scan3A_297 = arith.addi %scan3A_295, %scan3A_296 : i32
        %scan3A_298 = arith.constant 1 : i32
        scf.for %scan3A_514 = %scan3A_295 to %scan3A_297 step %scan3A_298  : i32 {
          %add3A_515 = arith.constant 0 : i32
          %add3A_516 = arith.addi %mul3A_293, %add3A_515 : i32
          %sub3A_517 = arith.constant 1 : i32
          %sub3A_518 = arith.subi %scan3A_514, %sub3A_517 : i32
          %get3A_519 = arith.index_cast %add3A_516 : i32 to index
          %get3A_520 = arith.index_cast %sub3A_518 : i32 to index
          %get3A_521 = tpu.vector_load %arg8[%get3A_519, %get3A_520] {strides = array<i32>} : memref<16x128xf32, #tpu.memory_space<vmem>>, vector<1x16xf32>,
          %get3A_522 = vector.shape_cast %get3A_521 : vector<1x16xf32> to vector<16xf32>
          %slice3A = vector.extract_strided_slice %get3A_522 {offsets = [0], sizes = [1], strides = [1]} : vector<16xf32> to vector<1xf32>
          %squeeze3A = vector.extract %slice3A[0] : f32 from vector<1xf32>
          %get3A_523 = arith.index_cast %scan3A_514 : i32 to index
          %get3A_524 = arith.constant 0 : index
          %get3A_525 = tpu.vector_load %arg6[%get3A_523, %get3A_524] {strides = array<i32>} : memref<101x128xf32, #tpu.memory_space<vmem>>, vector<1x16xf32>,
          %get3A_526 = vector.shape_cast %get3A_525 : vector<1x16xf32> to vector<16xf32>
          %mul3A_527 = vector.broadcast %squeeze3A : f32 to vector<16xf32>
          %mul3A_528 = arith.mulf %mul3A_527, %get3A_526 : vector<16xf32>
          %sub3A_529 = arith.constant 1 : i32
          %sub3A_530 = arith.subi %scan3A_514, %sub3A_529 : i32
          %get3A_531 = arith.index_cast %sub3A_530 : i32 to index
          %get3A_532 = arith.constant 0 : index
          %get3A_533 = tpu.vector_load %arg7[%get3A_531, %get3A_532] {strides = array<i32>} : memref<100x128xf32, #tpu.memory_space<vmem>>, vector<1x16xf32>,
          %get3A_534 = vector.shape_cast %get3A_533 : vector<1x16xf32> to vector<16xf32>
          %add3A_535 = arith.addf %mul3A_528, %get3A_534 : vector<16xf32>
          %swap3A_536 = arith.constant 0 : i32
          %swap3A_537 = arith.index_cast %swap3A_536 : i32 to index
          %swap3A_538 = arith.index_cast %scan3A_514 : i32 to index
          %swap3A_539 = arith.constant 0 : index
          %swap3A_540 = tpu.vector_load %arg10[%swap3A_537, %swap3A_538, %swap3A_539] {strides = array<i32>} : memref<2x101x128xf32, #tpu.memory_space<vmem>>, vector<1x1x16xf32>,
          %swap3A_541 = vector.shape_cast %swap3A_540 : vector<1x1x16xf32> to vector<16xf32>
          %swap3A_542 = vector.shape_cast %add3A_535 : vector<16xf32> to vector<1x1x16xf32>
          tpu.vector_store %arg10[%swap3A_537, %swap3A_538, %swap3A_539], %swap3A_542 {strides = array<i32>} : memref<2x101x128xf32, #tpu.memory_space<vmem>>, vector<1x1x16xf32>,
          %get3A_543 = arith.index_cast %scan3A_514 : i32 to index
          %get3A_544 = arith.constant 16 : index
          %get3A_545 = tpu.vector_load %arg6[%get3A_543, %get3A_544] {strides = array<i32>} : memref<101x128xf32, #tpu.memory_space<vmem>>, vector<1x16xf32>,
          %get3A_546 = vector.shape_cast %get3A_545 : vector<1x16xf32> to vector<16xf32>
          %mul3A_547 = vector.broadcast %squeeze3A : f32 to vector<16xf32>
          %mul3A_548 = arith.mulf %mul3A_547, %get3A_546 : vector<16xf32>
          %sub3A_549 = arith.constant 1 : i32
          %sub3A_550 = arith.subi %scan3A_514, %sub3A_549 : i32
          %get3A_551 = arith.index_cast %sub3A_550 : i32 to index
          %get3A_552 = arith.constant 16 : index
          %get3A_553 = tpu.vector_load %arg7[%get3A_551, %get3A_552] {strides = array<i32>} : memref<100x128xf32, #tpu.memory_space<vmem>>, vector<1x16xf32>,
          %get3A_554 = vector.shape_cast %get3A_553 : vector<1x16xf32> to vector<16xf32>
          %add3A_555 = arith.addf %mul3A_548, %get3A_554 : vector<16xf32>
          %swap3A_556 = arith.constant 0 : i32
          %swap3A_557 = arith.index_cast %swap3A_556 : i32 to index
          %swap3A_558 = arith.index_cast %scan3A_514 : i32 to index
          %swap3A_559 = arith.constant 16 : index
          %swap3A_560 = tpu.vector_load %arg10[%swap3A_557, %swap3A_558, %swap3A_559] {strides = array<i32>} : memref<2x101x128xf32, #tpu.memory_space<vmem>>, vector<1x1x16xf32>,
          %swap3A_561 = vector.shape_cast %swap3A_560 : vector<1x1x16xf32> to vector<16xf32>
          %swap3A_562 = vector.shape_cast %add3A_555 : vector<16xf32> to vector<1x1x16xf32>
          tpu.vector_store %arg10[%swap3A_557, %swap3A_558, %swap3A_559], %swap3A_562 {strides = array<i32>} : memref<2x101x128xf32, #tpu.memory_space<vmem>>, vector<1x1x16xf32>,
          %get3A_563 = arith.index_cast %scan3A_514 : i32 to index
          %get3A_564 = arith.constant 32 : index
          %get3A_565 = tpu.vector_load %arg6[%get3A_563, %get3A_564] {strides = array<i32>} : memref<101x128xf32, #tpu.memory_space<vmem>>, vector<1x16xf32>,
          %get3A_566 = vector.shape_cast %get3A_565 : vector<1x16xf32> to vector<16xf32>
          %mul3A_567 = vector.broadcast %squeeze3A : f32 to vector<16xf32>
          %mul3A_568 = arith.mulf %mul3A_567, %get3A_566 : vector<16xf32>
          %sub3A_569 = arith.constant 1 : i32
          %sub3A_570 = arith.subi %scan3A_514, %sub3A_569 : i32
          %get3A_571 = arith.index_cast %sub3A_570 : i32 to index
          %get3A_572 = arith.constant 32 : index
          %get3A_573 = tpu.vector_load %arg7[%get3A_571, %get3A_572] {strides = array<i32>} : memref<100x128xf32, #tpu.memory_space<vmem>>, vector<1x16xf32>,
          %get3A_574 = vector.shape_cast %get3A_573 : vector<1x16xf32> to vector<16xf32>
          %add3A_575 = arith.addf %mul3A_568, %get3A_574 : vector<16xf32>
          %swap3A_576 = arith.constant 0 : i32
          %swap3A_577 = arith.index_cast %swap3A_576 : i32 to index
          %swap3A_578 = arith.index_cast %scan3A_514 : i32 to index
          %swap3A_579 = arith.constant 32 : index
          %swap3A_580 = tpu.vector_load %arg10[%swap3A_577, %swap3A_578, %swap3A_579] {strides = array<i32>} : memref<2x101x128xf32, #tpu.memory_space<vmem>>, vector<1x1x16xf32>,
          %swap3A_581 = vector.shape_cast %swap3A_580 : vector<1x1x16xf32> to vector<16xf32>
          %swap3A_582 = vector.shape_cast %add3A_575 : vector<16xf32> to vector<1x1x16xf32>
          tpu.vector_store %arg10[%swap3A_577, %swap3A_578, %swap3A_579], %swap3A_582 {strides = array<i32>} : memref<2x101x128xf32, #tpu.memory_space<vmem>>, vector<1x1x16xf32>,
          %get3A_583 = arith.index_cast %scan3A_514 : i32 to index
          %get3A_584 = arith.constant 48 : index
          %get3A_585 = tpu.vector_load %arg6[%get3A_583, %get3A_584] {strides = array<i32>} : memref<101x128xf32, #tpu.memory_space<vmem>>, vector<1x16xf32>,
          %get3A_586 = vector.shape_cast %get3A_585 : vector<1x16xf32> to vector<16xf32>
          %mul3A_587 = vector.broadcast %squeeze3A : f32 to vector<16xf32>
          %mul3A_588 = arith.mulf %mul3A_587, %get3A_586 : vector<16xf32>
          %sub3A_589 = arith.constant 1 : i32
          %sub3A_590 = arith.subi %scan3A_514, %sub3A_589 : i32
          %get3A_591 = arith.index_cast %sub3A_590 : i32 to index
          %get3A_592 = arith.constant 48 : index
          %get3A_593 = tpu.vector_load %arg7[%get3A_591, %get3A_592] {strides = array<i32>} : memref<100x128xf32, #tpu.memory_space<vmem>>, vector<1x16xf32>,
          %get3A_594 = vector.shape_cast %get3A_593 : vector<1x16xf32> to vector<16xf32>
          %add3A_595 = arith.addf %mul3A_588, %get3A_594 : vector<16xf32>
          %swap3A_596 = arith.constant 0 : i32
          %swap3A_597 = arith.index_cast %swap3A_596 : i32 to index
          %swap3A_598 = arith.index_cast %scan3A_514 : i32 to index
          %swap3A_599 = arith.constant 48 : index
          %swap3A_600 = tpu.vector_load %arg10[%swap3A_597, %swap3A_598, %swap3A_599] {strides = array<i32>} : memref<2x101x128xf32, #tpu.memory_space<vmem>>, vector<1x1x16xf32>,
          %swap3A_601 = vector.shape_cast %swap3A_600 : vector<1x1x16xf32> to vector<16xf32>
          %swap3A_602 = vector.shape_cast %add3A_595 : vector<16xf32> to vector<1x1x16xf32>
          tpu.vector_store %arg10[%swap3A_597, %swap3A_598, %swap3A_599], %swap3A_602 {strides = array<i32>} : memref<2x101x128xf32, #tpu.memory_space<vmem>>, vector<1x1x16xf32>,
          %get3A_603 = arith.index_cast %scan3A_514 : i32 to index
          %get3A_604 = arith.constant 64 : index
          %get3A_605 = tpu.vector_load %arg6[%get3A_603, %get3A_604] {strides = array<i32>} : memref<101x128xf32, #tpu.memory_space<vmem>>, vector<1x16xf32>,
          %get3A_606 = vector.shape_cast %get3A_605 : vector<1x16xf32> to vector<16xf32>
          %mul3A_607 = vector.broadcast %squeeze3A : f32 to vector<16xf32>
          %mul3A_608 = arith.mulf %mul3A_607, %get3A_606 : vector<16xf32>
          %sub3A_609 = arith.constant 1 : i32
          %sub3A_610 = arith.subi %scan3A_514, %sub3A_609 : i32
          %get3A_611 = arith.index_cast %sub3A_610 : i32 to index
          %get3A_612 = arith.constant 64 : index
          %get3A_613 = tpu.vector_load %arg7[%get3A_611, %get3A_612] {strides = array<i32>} : memref<100x128xf32, #tpu.memory_space<vmem>>, vector<1x16xf32>,
          %get3A_614 = vector.shape_cast %get3A_613 : vector<1x16xf32> to vector<16xf32>
          %add3A_615 = arith.addf %mul3A_608, %get3A_614 : vector<16xf32>
          %swap3A_616 = arith.constant 0 : i32
          %swap3A_617 = arith.index_cast %swap3A_616 : i32 to index
          %swap3A_618 = arith.index_cast %scan3A_514 : i32 to index
          %swap3A_619 = arith.constant 64 : index
          %swap3A_620 = tpu.vector_load %arg10[%swap3A_617, %swap3A_618, %swap3A_619] {strides = array<i32>} : memref<2x101x128xf32, #tpu.memory_space<vmem>>, vector<1x1x16xf32>,
          %swap3A_621 = vector.shape_cast %swap3A_620 : vector<1x1x16xf32> to vector<16xf32>
          %swap3A_622 = vector.shape_cast %add3A_615 : vector<16xf32> to vector<1x1x16xf32>
          tpu.vector_store %arg10[%swap3A_617, %swap3A_618, %swap3A_619], %swap3A_622 {strides = array<i32>} : memref<2x101x128xf32, #tpu.memory_space<vmem>>, vector<1x1x16xf32>,
          %get3A_623 = arith.index_cast %scan3A_514 : i32 to index
          %get3A_624 = arith.constant 80 : index
          %get3A_625 = tpu.vector_load %arg6[%get3A_623, %get3A_624] {strides = array<i32>} : memref<101x128xf32, #tpu.memory_space<vmem>>, vector<1x16xf32>,
          %get3A_626 = vector.shape_cast %get3A_625 : vector<1x16xf32> to vector<16xf32>
          %mul3A_627 = vector.broadcast %squeeze3A : f32 to vector<16xf32>
          %mul3A_628 = arith.mulf %mul3A_627, %get3A_626 : vector<16xf32>
          %sub3A_629 = arith.constant 1 : i32
          %sub3A_630 = arith.subi %scan3A_514, %sub3A_629 : i32
          %get3A_631 = arith.index_cast %sub3A_630 : i32 to index
          %get3A_632 = arith.constant 80 : index
          %get3A_633 = tpu.vector_load %arg7[%get3A_631, %get3A_632] {strides = array<i32>} : memref<100x128xf32, #tpu.memory_space<vmem>>, vector<1x16xf32>,
          %get3A_634 = vector.shape_cast %get3A_633 : vector<1x16xf32> to vector<16xf32>
          %add3A_635 = arith.addf %mul3A_628, %get3A_634 : vector<16xf32>
          %swap3A_636 = arith.constant 0 : i32
          %swap3A_637 = arith.index_cast %swap3A_636 : i32 to index
          %swap3A_638 = arith.index_cast %scan3A_514 : i32 to index
          %swap3A_639 = arith.constant 80 : index
          %swap3A_640 = tpu.vector_load %arg10[%swap3A_637, %swap3A_638, %swap3A_639] {strides = array<i32>} : memref<2x101x128xf32, #tpu.memory_space<vmem>>, vector<1x1x16xf32>,
          %swap3A_641 = vector.shape_cast %swap3A_640 : vector<1x1x16xf32> to vector<16xf32>
          %swap3A_642 = vector.shape_cast %add3A_635 : vector<16xf32> to vector<1x1x16xf32>
          tpu.vector_store %arg10[%swap3A_637, %swap3A_638, %swap3A_639], %swap3A_642 {strides = array<i32>} : memref<2x101x128xf32, #tpu.memory_space<vmem>>, vector<1x1x16xf32>,
          %get3A_643 = arith.index_cast %scan3A_514 : i32 to index
          %get3A_644 = arith.constant 96 : index
          %get3A_645 = tpu.vector_load %arg6[%get3A_643, %get3A_644] {strides = array<i32>} : memref<101x128xf32, #tpu.memory_space<vmem>>, vector<1x16xf32>,
          %get3A_646 = vector.shape_cast %get3A_645 : vector<1x16xf32> to vector<16xf32>
          %mul3A_647 = vector.broadcast %squeeze3A : f32 to vector<16xf32>
          %mul3A_648 = arith.mulf %mul3A_647, %get3A_646 : vector<16xf32>
          %sub3A_649 = arith.constant 1 : i32
          %sub3A_650 = arith.subi %scan3A_514, %sub3A_649 : i32
          %get3A_651 = arith.index_cast %sub3A_650 : i32 to index
          %get3A_652 = arith.constant 96 : index
          %get3A_653 = tpu.vector_load %arg7[%get3A_651, %get3A_652] {strides = array<i32>} : memref<100x128xf32, #tpu.memory_space<vmem>>, vector<1x16xf32>,
          %get3A_654 = vector.shape_cast %get3A_653 : vector<1x16xf32> to vector<16xf32>
          %add3A_655 = arith.addf %mul3A_648, %get3A_654 : vector<16xf32>
          %swap3A_656 = arith.constant 0 : i32
          %swap3A_657 = arith.index_cast %swap3A_656 : i32 to index
          %swap3A_658 = arith.index_cast %scan3A_514 : i32 to index
          %swap3A_659 = arith.constant 96 : index
          %swap3A_660 = tpu.vector_load %arg10[%swap3A_657, %swap3A_658, %swap3A_659] {strides = array<i32>} : memref<2x101x128xf32, #tpu.memory_space<vmem>>, vector<1x1x16xf32>,
          %swap3A_661 = vector.shape_cast %swap3A_660 : vector<1x1x16xf32> to vector<16xf32>
          %swap3A_662 = vector.shape_cast %add3A_655 : vector<16xf32> to vector<1x1x16xf32>
          tpu.vector_store %arg10[%swap3A_657, %swap3A_658, %swap3A_659], %swap3A_662 {strides = array<i32>} : memref<2x101x128xf32, #tpu.memory_space<vmem>>, vector<1x1x16xf32>,
          %get3A_663 = arith.index_cast %scan3A_514 : i32 to index
          %get3A_664 = arith.constant 112 : index
          %get3A_665 = tpu.vector_load %arg6[%get3A_663, %get3A_664] {strides = array<i32>} : memref<101x128xf32, #tpu.memory_space<vmem>>, vector<1x16xf32>,
          %get3A_666 = vector.shape_cast %get3A_665 : vector<1x16xf32> to vector<16xf32>
          %mul3A_667 = vector.broadcast %squeeze3A : f32 to vector<16xf32>
          %mul3A_668 = arith.mulf %mul3A_667, %get3A_666 : vector<16xf32>
          %sub3A_669 = arith.constant 1 : i32
          %sub3A_670 = arith.subi %scan3A_514, %sub3A_669 : i32
          %get3A_671 = arith.index_cast %sub3A_670 : i32 to index
          %get3A_672 = arith.constant 112 : index
          %get3A_673 = tpu.vector_load %arg7[%get3A_671, %get3A_672] {strides = array<i32>} : memref<100x128xf32, #tpu.memory_space<vmem>>, vector<1x16xf32>,
          %get3A_674 = vector.shape_cast %get3A_673 : vector<1x16xf32> to vector<16xf32>
          %add3A_675 = arith.addf %mul3A_668, %get3A_674 : vector<16xf32>
          %swap3A_676 = arith.constant 0 : i32
          %swap3A_677 = arith.index_cast %swap3A_676 : i32 to index
          %swap3A_678 = arith.index_cast %scan3A_514 : i32 to index
          %swap3A_679 = arith.constant 112 : index
          %swap3A_680 = tpu.vector_load %arg10[%swap3A_677, %swap3A_678, %swap3A_679] {strides = array<i32>} : memref<2x101x128xf32, #tpu.memory_space<vmem>>, vector<1x1x16xf32>,
          %swap3A_681 = vector.shape_cast %swap3A_680 : vector<1x1x16xf32> to vector<16xf32>
          %swap3A_682 = vector.shape_cast %add3A_675 : vector<16xf32> to vector<1x1x16xf32>
          tpu.vector_store %arg10[%swap3A_677, %swap3A_678, %swap3A_679], %swap3A_682 {strides = array<i32>} : memref<2x101x128xf32, #tpu.memory_space<vmem>>, vector<1x1x16xf32>,
          %add3A_683 = arith.constant 1 : i32
          %add3A_684 = arith.addi %mul3A_293, %add3A_683 : i32
          %sub3A_685 = arith.constant 1 : i32
          %sub3A_686 = arith.subi %scan3A_514, %sub3A_685 : i32
          %get3A_687 = arith.index_cast %add3A_684 : i32 to index
          %get3A_688 = arith.index_cast %sub3A_686 : i32 to index
          %get3A_689 = tpu.vector_load %arg8[%get3A_687, %get3A_688] {strides = array<i32>} : memref<16x128xf32, #tpu.memory_space<vmem>>, vector<1x16xf32>,
          %get3A_690 = vector.shape_cast %get3A_689 : vector<1x16xf32> to vector<16xf32>
          %slice3A_691 = vector.extract_strided_slice %get3A_690 {offsets = [0], sizes = [1], strides = [1]} : vector<16xf32> to vector<1xf32>
          %squeeze3A_692 = vector.extract %slice3A_691[0] : f32 from vector<1xf32>
          %get3A_693 = arith.index_cast %scan3A_514 : i32 to index
          %get3A_694 = arith.constant 0 : index
          %get3A_695 = tpu.vector_load %arg6[%get3A_693, %get3A_694] {strides = array<i32>} : memref<101x128xf32, #tpu.memory_space<vmem>>, vector<1x16xf32>,
          %get3A_696 = vector.shape_cast %get3A_695 : vector<1x16xf32> to vector<16xf32>
          %mul3A_697 = vector.broadcast %squeeze3A_692 : f32 to vector<16xf32>
          %mul3A_698 = arith.mulf %mul3A_697, %get3A_696 : vector<16xf32>
          %sub3A_699 = arith.constant 1 : i32
          %sub3A_700 = arith.subi %scan3A_514, %sub3A_699 : i32
          %get3A_701 = arith.index_cast %sub3A_700 : i32 to index
          %get3A_702 = arith.constant 0 : index
          %get3A_703 = tpu.vector_load %arg7[%get3A_701, %get3A_702] {strides = array<i32>} : memref<100x128xf32, #tpu.memory_space<vmem>>, vector<1x16xf32>,
          %get3A_704 = vector.shape_cast %get3A_703 : vector<1x16xf32> to vector<16xf32>
          %add3A_705 = arith.addf %mul3A_698, %get3A_704 : vector<16xf32>
          %swap3A_706 = arith.constant 1 : i32
          %swap3A_707 = arith.index_cast %swap3A_706 : i32 to index
          %swap3A_708 = arith.index_cast %scan3A_514 : i32 to index
          %swap3A_709 = arith.constant 0 : index
          %swap3A_710 = tpu.vector_load %arg10[%swap3A_707, %swap3A_708, %swap3A_709] {strides = array<i32>} : memref<2x101x128xf32, #tpu.memory_space<vmem>>, vector<1x1x16xf32>,
          %swap3A_711 = vector.shape_cast %swap3A_710 : vector<1x1x16xf32> to vector<16xf32>
          %swap3A_712 = vector.shape_cast %add3A_705 : vector<16xf32> to vector<1x1x16xf32>
          tpu.vector_store %arg10[%swap3A_707, %swap3A_708, %swap3A_709], %swap3A_712 {strides = array<i32>} : memref<2x101x128xf32, #tpu.memory_space<vmem>>, vector<1x1x16xf32>,
          %get3A_713 = arith.index_cast %scan3A_514 : i32 to index
          %get3A_714 = arith.constant 16 : index
          %get3A_715 = tpu.vector_load %arg6[%get3A_713, %get3A_714] {strides = array<i32>} : memref<101x128xf32, #tpu.memory_space<vmem>>, vector<1x16xf32>,
          %get3A_716 = vector.shape_cast %get3A_715 : vector<1x16xf32> to vector<16xf32>
          %mul3A_717 = vector.broadcast %squeeze3A_692 : f32 to vector<16xf32>
          %mul3A_718 = arith.mulf %mul3A_717, %get3A_716 : vector<16xf32>
          %sub3A_719 = arith.constant 1 : i32
          %sub3A_720 = arith.subi %scan3A_514, %sub3A_719 : i32
          %get3A_721 = arith.index_cast %sub3A_720 : i32 to index
          %get3A_722 = arith.constant 16 : index
          %get3A_723 = tpu.vector_load %arg7[%get3A_721, %get3A_722] {strides = array<i32>} : memref<100x128xf32, #tpu.memory_space<vmem>>, vector<1x16xf32>,
          %get3A_724 = vector.shape_cast %get3A_723 : vector<1x16xf32> to vector<16xf32>
          %add3A_725 = arith.addf %mul3A_718, %get3A_724 : vector<16xf32>
          %swap3A_726 = arith.constant 1 : i32
          %swap3A_727 = arith.index_cast %swap3A_726 : i32 to index
          %swap3A_728 = arith.index_cast %scan3A_514 : i32 to index
          %swap3A_729 = arith.constant 16 : index
          %swap3A_730 = tpu.vector_load %arg10[%swap3A_727, %swap3A_728, %swap3A_729] {strides = array<i32>} : memref<2x101x128xf32, #tpu.memory_space<vmem>>, vector<1x1x16xf32>,
          %swap3A_731 = vector.shape_cast %swap3A_730 : vector<1x1x16xf32> to vector<16xf32>
          %swap3A_732 = vector.shape_cast %add3A_725 : vector<16xf32> to vector<1x1x16xf32>
          tpu.vector_store %arg10[%swap3A_727, %swap3A_728, %swap3A_729], %swap3A_732 {strides = array<i32>} : memref<2x101x128xf32, #tpu.memory_space<vmem>>, vector<1x1x16xf32>,
          %get3A_733 = arith.index_cast %scan3A_514 : i32 to index
          %get3A_734 = arith.constant 32 : index
          %get3A_735 = tpu.vector_load %arg6[%get3A_733, %get3A_734] {strides = array<i32>} : memref<101x128xf32, #tpu.memory_space<vmem>>, vector<1x16xf32>,
          %get3A_736 = vector.shape_cast %get3A_735 : vector<1x16xf32> to vector<16xf32>
          %mul3A_737 = vector.broadcast %squeeze3A_692 : f32 to vector<16xf32>
          %mul3A_738 = arith.mulf %mul3A_737, %get3A_736 : vector<16xf32>
          %sub3A_739 = arith.constant 1 : i32
          %sub3A_740 = arith.subi %scan3A_514, %sub3A_739 : i32
          %get3A_741 = arith.index_cast %sub3A_740 : i32 to index
          %get3A_742 = arith.constant 32 : index
          %get3A_743 = tpu.vector_load %arg7[%get3A_741, %get3A_742] {strides = array<i32>} : memref<100x128xf32, #tpu.memory_space<vmem>>, vector<1x16xf32>,
          %get3A_744 = vector.shape_cast %get3A_743 : vector<1x16xf32> to vector<16xf32>
          %add3A_745 = arith.addf %mul3A_738, %get3A_744 : vector<16xf32>
          %swap3A_746 = arith.constant 1 : i32
          %swap3A_747 = arith.index_cast %swap3A_746 : i32 to index
          %swap3A_748 = arith.index_cast %scan3A_514 : i32 to index
          %swap3A_749 = arith.constant 32 : index
          %swap3A_750 = tpu.vector_load %arg10[%swap3A_747, %swap3A_748, %swap3A_749] {strides = array<i32>} : memref<2x101x128xf32, #tpu.memory_space<vmem>>, vector<1x1x16xf32>,
          %swap3A_751 = vector.shape_cast %swap3A_750 : vector<1x1x16xf32> to vector<16xf32>
          %swap3A_752 = vector.shape_cast %add3A_745 : vector<16xf32> to vector<1x1x16xf32>
          tpu.vector_store %arg10[%swap3A_747, %swap3A_748, %swap3A_749], %swap3A_752 {strides = array<i32>} : memref<2x101x128xf32, #tpu.memory_space<vmem>>, vector<1x1x16xf32>,
          %get3A_753 = arith.index_cast %scan3A_514 : i32 to index
          %get3A_754 = arith.constant 48 : index
          %get3A_755 = tpu.vector_load %arg6[%get3A_753, %get3A_754] {strides = array<i32>} : memref<101x128xf32, #tpu.memory_space<vmem>>, vector<1x16xf32>,
          %get3A_756 = vector.shape_cast %get3A_755 : vector<1x16xf32> to vector<16xf32>
          %mul3A_757 = vector.broadcast %squeeze3A_692 : f32 to vector<16xf32>
          %mul3A_758 = arith.mulf %mul3A_757, %get3A_756 : vector<16xf32>
          %sub3A_759 = arith.constant 1 : i32
          %sub3A_760 = arith.subi %scan3A_514, %sub3A_759 : i32
          %get3A_761 = arith.index_cast %sub3A_760 : i32 to index
          %get3A_762 = arith.constant 48 : index
          %get3A_763 = tpu.vector_load %arg7[%get3A_761, %get3A_762] {strides = array<i32>} : memref<100x128xf32, #tpu.memory_space<vmem>>, vector<1x16xf32>,
          %get3A_764 = vector.shape_cast %get3A_763 : vector<1x16xf32> to vector<16xf32>
          %add3A_765 = arith.addf %mul3A_758, %get3A_764 : vector<16xf32>
          %swap3A_766 = arith.constant 1 : i32
          %swap3A_767 = arith.index_cast %swap3A_766 : i32 to index
          %swap3A_768 = arith.index_cast %scan3A_514 : i32 to index
          %swap3A_769 = arith.constant 48 : index
          %swap3A_770 = tpu.vector_load %arg10[%swap3A_767, %swap3A_768, %swap3A_769] {strides = array<i32>} : memref<2x101x128xf32, #tpu.memory_space<vmem>>, vector<1x1x16xf32>,
          %swap3A_771 = vector.shape_cast %swap3A_770 : vector<1x1x16xf32> to vector<16xf32>
          %swap3A_772 = vector.shape_cast %add3A_765 : vector<16xf32> to vector<1x1x16xf32>
          tpu.vector_store %arg10[%swap3A_767, %swap3A_768, %swap3A_769], %swap3A_772 {strides = array<i32>} : memref<2x101x128xf32, #tpu.memory_space<vmem>>, vector<1x1x16xf32>,
          %get3A_773 = arith.index_cast %scan3A_514 : i32 to index
          %get3A_774 = arith.constant 64 : index
          %get3A_775 = tpu.vector_load %arg6[%get3A_773, %get3A_774] {strides = array<i32>} : memref<101x128xf32, #tpu.memory_space<vmem>>, vector<1x16xf32>,
          %get3A_776 = vector.shape_cast %get3A_775 : vector<1x16xf32> to vector<16xf32>
          %mul3A_777 = vector.broadcast %squeeze3A_692 : f32 to vector<16xf32>
          %mul3A_778 = arith.mulf %mul3A_777, %get3A_776 : vector<16xf32>
          %sub3A_779 = arith.constant 1 : i32
          %sub3A_780 = arith.subi %scan3A_514, %sub3A_779 : i32
          %get3A_781 = arith.index_cast %sub3A_780 : i32 to index
          %get3A_782 = arith.constant 64 : index
          %get3A_783 = tpu.vector_load %arg7[%get3A_781, %get3A_782] {strides = array<i32>} : memref<100x128xf32, #tpu.memory_space<vmem>>, vector<1x16xf32>,
          %get3A_784 = vector.shape_cast %get3A_783 : vector<1x16xf32> to vector<16xf32>
          %add3A_785 = arith.addf %mul3A_778, %get3A_784 : vector<16xf32>
          %swap3A_786 = arith.constant 1 : i32
          %swap3A_787 = arith.index_cast %swap3A_786 : i32 to index
          %swap3A_788 = arith.index_cast %scan3A_514 : i32 to index
          %swap3A_789 = arith.constant 64 : index
          %swap3A_790 = tpu.vector_load %arg10[%swap3A_787, %swap3A_788, %swap3A_789] {strides = array<i32>} : memref<2x101x128xf32, #tpu.memory_space<vmem>>, vector<1x1x16xf32>,
          %swap3A_791 = vector.shape_cast %swap3A_790 : vector<1x1x16xf32> to vector<16xf32>
          %swap3A_792 = vector.shape_cast %add3A_785 : vector<16xf32> to vector<1x1x16xf32>
          tpu.vector_store %arg10[%swap3A_787, %swap3A_788, %swap3A_789], %swap3A_792 {strides = array<i32>} : memref<2x101x128xf32, #tpu.memory_space<vmem>>, vector<1x1x16xf32>,
          %get3A_793 = arith.index_cast %scan3A_514 : i32 to index
          %get3A_794 = arith.constant 80 : index
          %get3A_795 = tpu.vector_load %arg6[%get3A_793, %get3A_794] {strides = array<i32>} : memref<101x128xf32, #tpu.memory_space<vmem>>, vector<1x16xf32>,
          %get3A_796 = vector.shape_cast %get3A_795 : vector<1x16xf32> to vector<16xf32>
          %mul3A_797 = vector.broadcast %squeeze3A_692 : f32 to vector<16xf32>
          %mul3A_798 = arith.mulf %mul3A_797, %get3A_796 : vector<16xf32>
          %sub3A_799 = arith.constant 1 : i32
          %sub3A_800 = arith.subi %scan3A_514, %sub3A_799 : i32
          %get3A_801 = arith.index_cast %sub3A_800 : i32 to index
          %get3A_802 = arith.constant 80 : index
          %get3A_803 = tpu.vector_load %arg7[%get3A_801, %get3A_802] {strides = array<i32>} : memref<100x128xf32, #tpu.memory_space<vmem>>, vector<1x16xf32>,
          %get3A_804 = vector.shape_cast %get3A_803 : vector<1x16xf32> to vector<16xf32>
          %add3A_805 = arith.addf %mul3A_798, %get3A_804 : vector<16xf32>
          %swap3A_806 = arith.constant 1 : i32
          %swap3A_807 = arith.index_cast %swap3A_806 : i32 to index
          %swap3A_808 = arith.index_cast %scan3A_514 : i32 to index
          %swap3A_809 = arith.constant 80 : index
          %swap3A_810 = tpu.vector_load %arg10[%swap3A_807, %swap3A_808, %swap3A_809] {strides = array<i32>} : memref<2x101x128xf32, #tpu.memory_space<vmem>>, vector<1x1x16xf32>,
          %swap3A_811 = vector.shape_cast %swap3A_810 : vector<1x1x16xf32> to vector<16xf32>
          %swap3A_812 = vector.shape_cast %add3A_805 : vector<16xf32> to vector<1x1x16xf32>
          tpu.vector_store %arg10[%swap3A_807, %swap3A_808, %swap3A_809], %swap3A_812 {strides = array<i32>} : memref<2x101x128xf32, #tpu.memory_space<vmem>>, vector<1x1x16xf32>,
          %get3A_813 = arith.index_cast %scan3A_514 : i32 to index
          %get3A_814 = arith.constant 96 : index
          %get3A_815 = tpu.vector_load %arg6[%get3A_813, %get3A_814] {strides = array<i32>} : memref<101x128xf32, #tpu.memory_space<vmem>>, vector<1x16xf32>,
          %get3A_816 = vector.shape_cast %get3A_815 : vector<1x16xf32> to vector<16xf32>
          %mul3A_817 = vector.broadcast %squeeze3A_692 : f32 to vector<16xf32>
          %mul3A_818 = arith.mulf %mul3A_817, %get3A_816 : vector<16xf32>
          %sub3A_819 = arith.constant 1 : i32
          %sub3A_820 = arith.subi %scan3A_514, %sub3A_819 : i32
          %get3A_821 = arith.index_cast %sub3A_820 : i32 to index
          %get3A_822 = arith.constant 96 : index
          %get3A_823 = tpu.vector_load %arg7[%get3A_821, %get3A_822] {strides = array<i32>} : memref<100x128xf32, #tpu.memory_space<vmem>>, vector<1x16xf32>,
          %get3A_824 = vector.shape_cast %get3A_823 : vector<1x16xf32> to vector<16xf32>
          %add3A_825 = arith.addf %mul3A_818, %get3A_824 : vector<16xf32>
          %swap3A_826 = arith.constant 1 : i32
          %swap3A_827 = arith.index_cast %swap3A_826 : i32 to index
          %swap3A_828 = arith.index_cast %scan3A_514 : i32 to index
          %swap3A_829 = arith.constant 96 : index
          %swap3A_830 = tpu.vector_load %arg10[%swap3A_827, %swap3A_828, %swap3A_829] {strides = array<i32>} : memref<2x101x128xf32, #tpu.memory_space<vmem>>, vector<1x1x16xf32>,
          %swap3A_831 = vector.shape_cast %swap3A_830 : vector<1x1x16xf32> to vector<16xf32>
          %swap3A_832 = vector.shape_cast %add3A_825 : vector<16xf32> to vector<1x1x16xf32>
          tpu.vector_store %arg10[%swap3A_827, %swap3A_828, %swap3A_829], %swap3A_832 {strides = array<i32>} : memref<2x101x128xf32, #tpu.memory_space<vmem>>, vector<1x1x16xf32>,
          %get3A_833 = arith.index_cast %scan3A_514 : i32 to index
          %get3A_834 = arith.constant 112 : index
          %get3A_835 = tpu.vector_load %arg6[%get3A_833, %get3A_834] {strides = array<i32>} : memref<101x128xf32, #tpu.memory_space<vmem>>, vector<1x16xf32>,
          %get3A_836 = vector.shape_cast %get3A_835 : vector<1x16xf32> to vector<16xf32>
          %mul3A_837 = vector.broadcast %squeeze3A_692 : f32 to vector<16xf32>
          %mul3A_838 = arith.mulf %mul3A_837, %get3A_836 : vector<16xf32>
          %sub3A_839 = arith.constant 1 : i32
          %sub3A_840 = arith.subi %scan3A_514, %sub3A_839 : i32
          %get3A_841 = arith.index_cast %sub3A_840 : i32 to index
          %get3A_842 = arith.constant 112 : index
          %get3A_843 = tpu.vector_load %arg7[%get3A_841, %get3A_842] {strides = array<i32>} : memref<100x128xf32, #tpu.memory_space<vmem>>, vector<1x16xf32>,
          %get3A_844 = vector.shape_cast %get3A_843 : vector<1x16xf32> to vector<16xf32>
          %add3A_845 = arith.addf %mul3A_838, %get3A_844 : vector<16xf32>
          %swap3A_846 = arith.constant 1 : i32
          %swap3A_847 = arith.index_cast %swap3A_846 : i32 to index
          %swap3A_848 = arith.index_cast %scan3A_514 : i32 to index
          %swap3A_849 = arith.constant 112 : index
          %swap3A_850 = tpu.vector_load %arg10[%swap3A_847, %swap3A_848, %swap3A_849] {strides = array<i32>} : memref<2x101x128xf32, #tpu.memory_space<vmem>>, vector<1x1x16xf32>,
          %swap3A_851 = vector.shape_cast %swap3A_850 : vector<1x1x16xf32> to vector<16xf32>
          %swap3A_852 = vector.shape_cast %add3A_845 : vector<16xf32> to vector<1x1x16xf32>
          tpu.vector_store %arg10[%swap3A_847, %swap3A_848, %swap3A_849], %swap3A_852 {strides = array<i32>} : memref<2x101x128xf32, #tpu.memory_space<vmem>>, vector<1x1x16xf32>,
        }
        %scan3A_299 = arith.constant 100 : i32
        %get3A_300 = arith.constant 0 : i32
        %get3A_301 = arith.index_cast %get3A_300 : i32 to index
        %get3A_302 = arith.constant 0 : index
        %get3A_303 = tpu.vector_load %arg6[%get3A_301, %get3A_302] {strides = array<i32>} : memref<101x128xf32, #tpu.memory_space<vmem>>, vector<1x16xf32>,
        %get3A_304 = vector.shape_cast %get3A_303 : vector<1x16xf32> to vector<16xf32>
        %swap3A_305 = arith.constant 0 : i32
        %swap3A_306 = arith.constant 0 : i32
        %swap3A_307 = arith.index_cast %swap3A_305 : i32 to index
        %swap3A_308 = arith.index_cast %swap3A_306 : i32 to index
        %swap3A_309 = arith.constant 0 : index
        %swap3A_310 = tpu.vector_load %arg10[%swap3A_307, %swap3A_308, %swap3A_309] {strides = array<i32>} : memref<2x101x128xf32, #tpu.memory_space<vmem>>, vector<1x1x16xf32>,
        %swap3A_311 = vector.shape_cast %swap3A_310 : vector<1x1x16xf32> to vector<16xf32>
        %swap3A_312 = vector.shape_cast %get3A_304 : vector<16xf32> to vector<1x1x16xf32>
        tpu.vector_store %arg10[%swap3A_307, %swap3A_308, %swap3A_309], %swap3A_312 {strides = array<i32>} : memref<2x101x128xf32, #tpu.memory_space<vmem>>, vector<1x1x16xf32>,
        %get3A_313 = arith.constant 0 : i32
        %get3A_314 = arith.index_cast %get3A_313 : i32 to index
        %get3A_315 = arith.constant 16 : index
        %get3A_316 = tpu.vector_load %arg6[%get3A_314, %get3A_315] {strides = array<i32>} : memref<101x128xf32, #tpu.memory_space<vmem>>, vector<1x16xf32>,
        %get3A_317 = vector.shape_cast %get3A_316 : vector<1x16xf32> to vector<16xf32>
        %swap3A_318 = arith.constant 0 : i32
        %swap3A_319 = arith.constant 0 : i32
        %swap3A_320 = arith.index_cast %swap3A_318 : i32 to index
        %swap3A_321 = arith.index_cast %swap3A_319 : i32 to index
        %swap3A_322 = arith.constant 16 : index
        %swap3A_323 = tpu.vector_load %arg10[%swap3A_320, %swap3A_321, %swap3A_322] {strides = array<i32>} : memref<2x101x128xf32, #tpu.memory_space<vmem>>, vector<1x1x16xf32>,
        %swap3A_324 = vector.shape_cast %swap3A_323 : vector<1x1x16xf32> to vector<16xf32>
        %swap3A_325 = vector.shape_cast %get3A_317 : vector<16xf32> to vector<1x1x16xf32>
        tpu.vector_store %arg10[%swap3A_320, %swap3A_321, %swap3A_322], %swap3A_325 {strides = array<i32>} : memref<2x101x128xf32, #tpu.memory_space<vmem>>, vector<1x1x16xf32>,
        %get3A_326 = arith.constant 0 : i32
        %get3A_327 = arith.index_cast %get3A_326 : i32 to index
        %get3A_328 = arith.constant 32 : index
        %get3A_329 = tpu.vector_load %arg6[%get3A_327, %get3A_328] {strides = array<i32>} : memref<101x128xf32, #tpu.memory_space<vmem>>, vector<1x16xf32>,
        %get3A_330 = vector.shape_cast %get3A_329 : vector<1x16xf32> to vector<16xf32>
        %swap3A_331 = arith.constant 0 : i32
        %swap3A_332 = arith.constant 0 : i32
        %swap3A_333 = arith.index_cast %swap3A_331 : i32 to index
        %swap3A_334 = arith.index_cast %swap3A_332 : i32 to index
        %swap3A_335 = arith.constant 32 : index
        %swap3A_336 = tpu.vector_load %arg10[%swap3A_333, %swap3A_334, %swap3A_335] {strides = array<i32>} : memref<2x101x128xf32, #tpu.memory_space<vmem>>, vector<1x1x16xf32>,
        %swap3A_337 = vector.shape_cast %swap3A_336 : vector<1x1x16xf32> to vector<16xf32>
        %swap3A_338 = vector.shape_cast %get3A_330 : vector<16xf32> to vector<1x1x16xf32>
        tpu.vector_store %arg10[%swap3A_333, %swap3A_334, %swap3A_335], %swap3A_338 {strides = array<i32>} : memref<2x101x128xf32, #tpu.memory_space<vmem>>, vector<1x1x16xf32>,
        %get3A_339 = arith.constant 0 : i32
        %get3A_340 = arith.index_cast %get3A_339 : i32 to index
        %get3A_341 = arith.constant 48 : index
        %get3A_342 = tpu.vector_load %arg6[%get3A_340, %get3A_341] {strides = array<i32>} : memref<101x128xf32, #tpu.memory_space<vmem>>, vector<1x16xf32>,
        %get3A_343 = vector.shape_cast %get3A_342 : vector<1x16xf32> to vector<16xf32>
        %swap3A_344 = arith.constant 0 : i32
        %swap3A_345 = arith.constant 0 : i32
        %swap3A_346 = arith.index_cast %swap3A_344 : i32 to index
        %swap3A_347 = arith.index_cast %swap3A_345 : i32 to index
        %swap3A_348 = arith.constant 48 : index
        %swap3A_349 = tpu.vector_load %arg10[%swap3A_346, %swap3A_347, %swap3A_348] {strides = array<i32>} : memref<2x101x128xf32, #tpu.memory_space<vmem>>, vector<1x1x16xf32>,
        %swap3A_350 = vector.shape_cast %swap3A_349 : vector<1x1x16xf32> to vector<16xf32>
        %swap3A_351 = vector.shape_cast %get3A_343 : vector<16xf32> to vector<1x1x16xf32>
        tpu.vector_store %arg10[%swap3A_346, %swap3A_347, %swap3A_348], %swap3A_351 {strides = array<i32>} : memref<2x101x128xf32, #tpu.memory_space<vmem>>, vector<1x1x16xf32>,
        %get3A_352 = arith.constant 0 : i32
        %get3A_353 = arith.index_cast %get3A_352 : i32 to index
        %get3A_354 = arith.constant 64 : index
        %get3A_355 = tpu.vector_load %arg6[%get3A_353, %get3A_354] {strides = array<i32>} : memref<101x128xf32, #tpu.memory_space<vmem>>, vector<1x16xf32>,
        %get3A_356 = vector.shape_cast %get3A_355 : vector<1x16xf32> to vector<16xf32>
        %swap3A_357 = arith.constant 0 : i32
        %swap3A_358 = arith.constant 0 : i32
        %swap3A_359 = arith.index_cast %swap3A_357 : i32 to index
        %swap3A_360 = arith.index_cast %swap3A_358 : i32 to index
        %swap3A_361 = arith.constant 64 : index
        %swap3A_362 = tpu.vector_load %arg10[%swap3A_359, %swap3A_360, %swap3A_361] {strides = array<i32>} : memref<2x101x128xf32, #tpu.memory_space<vmem>>, vector<1x1x16xf32>,
        %swap3A_363 = vector.shape_cast %swap3A_362 : vector<1x1x16xf32> to vector<16xf32>
        %swap3A_364 = vector.shape_cast %get3A_356 : vector<16xf32> to vector<1x1x16xf32>
        tpu.vector_store %arg10[%swap3A_359, %swap3A_360, %swap3A_361], %swap3A_364 {strides = array<i32>} : memref<2x101x128xf32, #tpu.memory_space<vmem>>, vector<1x1x16xf32>,
        %get3A_365 = arith.constant 0 : i32
        %get3A_366 = arith.index_cast %get3A_365 : i32 to index
        %get3A_367 = arith.constant 80 : index
        %get3A_368 = tpu.vector_load %arg6[%get3A_366, %get3A_367] {strides = array<i32>} : memref<101x128xf32, #tpu.memory_space<vmem>>, vector<1x16xf32>,
        %get3A_369 = vector.shape_cast %get3A_368 : vector<1x16xf32> to vector<16xf32>
        %swap3A_370 = arith.constant 0 : i32
        %swap3A_371 = arith.constant 0 : i32
        %swap3A_372 = arith.index_cast %swap3A_370 : i32 to index
        %swap3A_373 = arith.index_cast %swap3A_371 : i32 to index
        %swap3A_374 = arith.constant 80 : index
        %swap3A_375 = tpu.vector_load %arg10[%swap3A_372, %swap3A_373, %swap3A_374] {strides = array<i32>} : memref<2x101x128xf32, #tpu.memory_space<vmem>>, vector<1x1x16xf32>,
        %swap3A_376 = vector.shape_cast %swap3A_375 : vector<1x1x16xf32> to vector<16xf32>
        %swap3A_377 = vector.shape_cast %get3A_369 : vector<16xf32> to vector<1x1x16xf32>
        tpu.vector_store %arg10[%swap3A_372, %swap3A_373, %swap3A_374], %swap3A_377 {strides = array<i32>} : memref<2x101x128xf32, #tpu.memory_space<vmem>>, vector<1x1x16xf32>,
        %get3A_378 = arith.constant 0 : i32
        %get3A_379 = arith.index_cast %get3A_378 : i32 to index
        %get3A_380 = arith.constant 96 : index
        %get3A_381 = tpu.vector_load %arg6[%get3A_379, %get3A_380] {strides = array<i32>} : memref<101x128xf32, #tpu.memory_space<vmem>>, vector<1x16xf32>,
        %get3A_382 = vector.shape_cast %get3A_381 : vector<1x16xf32> to vector<16xf32>
        %swap3A_383 = arith.constant 0 : i32
        %swap3A_384 = arith.constant 0 : i32
        %swap3A_385 = arith.index_cast %swap3A_383 : i32 to index
        %swap3A_386 = arith.index_cast %swap3A_384 : i32 to index
        %swap3A_387 = arith.constant 96 : index
        %swap3A_388 = tpu.vector_load %arg10[%swap3A_385, %swap3A_386, %swap3A_387] {strides = array<i32>} : memref<2x101x128xf32, #tpu.memory_space<vmem>>, vector<1x1x16xf32>,
        %swap3A_389 = vector.shape_cast %swap3A_388 : vector<1x1x16xf32> to vector<16xf32>
        %swap3A_390 = vector.shape_cast %get3A_382 : vector<16xf32> to vector<1x1x16xf32>
        tpu.vector_store %arg10[%swap3A_385, %swap3A_386, %swap3A_387], %swap3A_390 {strides = array<i32>} : memref<2x101x128xf32, #tpu.memory_space<vmem>>, vector<1x1x16xf32>,
        %get3A_391 = arith.constant 0 : i32
        %get3A_392 = arith.index_cast %get3A_391 : i32 to index
        %get3A_393 = arith.constant 112 : index
        %get3A_394 = tpu.vector_load %arg6[%get3A_392, %get3A_393] {strides = array<i32>} : memref<101x128xf32, #tpu.memory_space<vmem>>, vector<1x16xf32>,
        %get3A_395 = vector.shape_cast %get3A_394 : vector<1x16xf32> to vector<16xf32>
        %swap3A_396 = arith.constant 0 : i32
        %swap3A_397 = arith.constant 0 : i32
        %swap3A_398 = arith.index_cast %swap3A_396 : i32 to index
        %swap3A_399 = arith.index_cast %swap3A_397 : i32 to index
        %swap3A_400 = arith.constant 112 : index
        %swap3A_401 = tpu.vector_load %arg10[%swap3A_398, %swap3A_399, %swap3A_400] {strides = array<i32>} : memref<2x101x128xf32, #tpu.memory_space<vmem>>, vector<1x1x16xf32>,
        %swap3A_402 = vector.shape_cast %swap3A_401 : vector<1x1x16xf32> to vector<16xf32>
        %swap3A_403 = vector.shape_cast %get3A_395 : vector<16xf32> to vector<1x1x16xf32>
        tpu.vector_store %arg10[%swap3A_398, %swap3A_399, %swap3A_400], %swap3A_403 {strides = array<i32>} : memref<2x101x128xf32, #tpu.memory_space<vmem>>, vector<1x1x16xf32>,
        %get3A_404 = arith.constant 0 : i32
        %get3A_405 = arith.index_cast %get3A_404 : i32 to index
        %get3A_406 = arith.constant 0 : index
        %get3A_407 = tpu.vector_load %arg6[%get3A_405, %get3A_406] {strides = array<i32>} : memref<101x128xf32, #tpu.memory_space<vmem>>, vector<1x16xf32>,
        %get3A_408 = vector.shape_cast %get3A_407 : vector<1x16xf32> to vector<16xf32>
        %swap3A_409 = arith.constant 1 : i32
        %swap3A_410 = arith.constant 0 : i32
        %swap3A_411 = arith.index_cast %swap3A_409 : i32 to index
        %swap3A_412 = arith.index_cast %swap3A_410 : i32 to index
        %swap3A_413 = arith.constant 0 : index
        %swap3A_414 = tpu.vector_load %arg10[%swap3A_411, %swap3A_412, %swap3A_413] {strides = array<i32>} : memref<2x101x128xf32, #tpu.memory_space<vmem>>, vector<1x1x16xf32>,
        %swap3A_415 = vector.shape_cast %swap3A_414 : vector<1x1x16xf32> to vector<16xf32>
        %swap3A_416 = vector.shape_cast %get3A_408 : vector<16xf32> to vector<1x1x16xf32>
        tpu.vector_store %arg10[%swap3A_411, %swap3A_412, %swap3A_413], %swap3A_416 {strides = array<i32>} : memref<2x101x128xf32, #tpu.memory_space<vmem>>, vector<1x1x16xf32>,
        %get3A_417 = arith.constant 0 : i32
        %get3A_418 = arith.index_cast %get3A_417 : i32 to index
        %get3A_419 = arith.constant 16 : index
        %get3A_420 = tpu.vector_load %arg6[%get3A_418, %get3A_419] {strides = array<i32>} : memref<101x128xf32, #tpu.memory_space<vmem>>, vector<1x16xf32>,
        %get3A_421 = vector.shape_cast %get3A_420 : vector<1x16xf32> to vector<16xf32>
        %swap3A_422 = arith.constant 1 : i32
        %swap3A_423 = arith.constant 0 : i32
        %swap3A_424 = arith.index_cast %swap3A_422 : i32 to index
        %swap3A_425 = arith.index_cast %swap3A_423 : i32 to index
        %swap3A_426 = arith.constant 16 : index
        %swap3A_427 = tpu.vector_load %arg10[%swap3A_424, %swap3A_425, %swap3A_426] {strides = array<i32>} : memref<2x101x128xf32, #tpu.memory_space<vmem>>, vector<1x1x16xf32>,
        %swap3A_428 = vector.shape_cast %swap3A_427 : vector<1x1x16xf32> to vector<16xf32>
        %swap3A_429 = vector.shape_cast %get3A_421 : vector<16xf32> to vector<1x1x16xf32>
        tpu.vector_store %arg10[%swap3A_424, %swap3A_425, %swap3A_426], %swap3A_429 {strides = array<i32>} : memref<2x101x128xf32, #tpu.memory_space<vmem>>, vector<1x1x16xf32>,
        %get3A_430 = arith.constant 0 : i32
        %get3A_431 = arith.index_cast %get3A_430 : i32 to index
        %get3A_432 = arith.constant 32 : index
        %get3A_433 = tpu.vector_load %arg6[%get3A_431, %get3A_432] {strides = array<i32>} : memref<101x128xf32, #tpu.memory_space<vmem>>, vector<1x16xf32>,
        %get3A_434 = vector.shape_cast %get3A_433 : vector<1x16xf32> to vector<16xf32>
        %swap3A_435 = arith.constant 1 : i32
        %swap3A_436 = arith.constant 0 : i32
        %swap3A_437 = arith.index_cast %swap3A_435 : i32 to index
        %swap3A_438 = arith.index_cast %swap3A_436 : i32 to index
        %swap3A_439 = arith.constant 32 : index
        %swap3A_440 = tpu.vector_load %arg10[%swap3A_437, %swap3A_438, %swap3A_439] {strides = array<i32>} : memref<2x101x128xf32, #tpu.memory_space<vmem>>, vector<1x1x16xf32>,
        %swap3A_441 = vector.shape_cast %swap3A_440 : vector<1x1x16xf32> to vector<16xf32>
        %swap3A_442 = vector.shape_cast %get3A_434 : vector<16xf32> to vector<1x1x16xf32>
        tpu.vector_store %arg10[%swap3A_437, %swap3A_438, %swap3A_439], %swap3A_442 {strides = array<i32>} : memref<2x101x128xf32, #tpu.memory_space<vmem>>, vector<1x1x16xf32>,
        %get3A_443 = arith.constant 0 : i32
        %get3A_444 = arith.index_cast %get3A_443 : i32 to index
        %get3A_445 = arith.constant 48 : index
        %get3A_446 = tpu.vector_load %arg6[%get3A_444, %get3A_445] {strides = array<i32>} : memref<101x128xf32, #tpu.memory_space<vmem>>, vector<1x16xf32>,
        %get3A_447 = vector.shape_cast %get3A_446 : vector<1x16xf32> to vector<16xf32>
        %swap3A_448 = arith.constant 1 : i32
        %swap3A_449 = arith.constant 0 : i32
        %swap3A_450 = arith.index_cast %swap3A_448 : i32 to index
        %swap3A_451 = arith.index_cast %swap3A_449 : i32 to index
        %swap3A_452 = arith.constant 48 : index
        %swap3A_453 = tpu.vector_load %arg10[%swap3A_450, %swap3A_451, %swap3A_452] {strides = array<i32>} : memref<2x101x128xf32, #tpu.memory_space<vmem>>, vector<1x1x16xf32>,
        %swap3A_454 = vector.shape_cast %swap3A_453 : vector<1x1x16xf32> to vector<16xf32>
        %swap3A_455 = vector.shape_cast %get3A_447 : vector<16xf32> to vector<1x1x16xf32>
        tpu.vector_store %arg10[%swap3A_450, %swap3A_451, %swap3A_452], %swap3A_455 {strides = array<i32>} : memref<2x101x128xf32, #tpu.memory_space<vmem>>, vector<1x1x16xf32>,
        %get3A_456 = arith.constant 0 : i32
        %get3A_457 = arith.index_cast %get3A_456 : i32 to index
        %get3A_458 = arith.constant 64 : index
        %get3A_459 = tpu.vector_load %arg6[%get3A_457, %get3A_458] {strides = array<i32>} : memref<101x128xf32, #tpu.memory_space<vmem>>, vector<1x16xf32>,
        %get3A_460 = vector.shape_cast %get3A_459 : vector<1x16xf32> to vector<16xf32>
        %swap3A_461 = arith.constant 1 : i32
        %swap3A_462 = arith.constant 0 : i32
        %swap3A_463 = arith.index_cast %swap3A_461 : i32 to index
        %swap3A_464 = arith.index_cast %swap3A_462 : i32 to index
        %swap3A_465 = arith.constant 64 : index
        %swap3A_466 = tpu.vector_load %arg10[%swap3A_463, %swap3A_464, %swap3A_465] {strides = array<i32>} : memref<2x101x128xf32, #tpu.memory_space<vmem>>, vector<1x1x16xf32>,
        %swap3A_467 = vector.shape_cast %swap3A_466 : vector<1x1x16xf32> to vector<16xf32>
        %swap3A_468 = vector.shape_cast %get3A_460 : vector<16xf32> to vector<1x1x16xf32>
        tpu.vector_store %arg10[%swap3A_463, %swap3A_464, %swap3A_465], %swap3A_468 {strides = array<i32>} : memref<2x101x128xf32, #tpu.memory_space<vmem>>, vector<1x1x16xf32>,
        %get3A_469 = arith.constant 0 : i32
        %get3A_470 = arith.index_cast %get3A_469 : i32 to index
        %get3A_471 = arith.constant 80 : index
        %get3A_472 = tpu.vector_load %arg6[%get3A_470, %get3A_471] {strides = array<i32>} : memref<101x128xf32, #tpu.memory_space<vmem>>, vector<1x16xf32>,
        %get3A_473 = vector.shape_cast %get3A_472 : vector<1x16xf32> to vector<16xf32>
        %swap3A_474 = arith.constant 1 : i32
        %swap3A_475 = arith.constant 0 : i32
        %swap3A_476 = arith.index_cast %swap3A_474 : i32 to index
        %swap3A_477 = arith.index_cast %swap3A_475 : i32 to index
        %swap3A_478 = arith.constant 80 : index
        %swap3A_479 = tpu.vector_load %arg10[%swap3A_476, %swap3A_477, %swap3A_478] {strides = array<i32>} : memref<2x101x128xf32, #tpu.memory_space<vmem>>, vector<1x1x16xf32>,
        %swap3A_480 = vector.shape_cast %swap3A_479 : vector<1x1x16xf32> to vector<16xf32>
        %swap3A_481 = vector.shape_cast %get3A_473 : vector<16xf32> to vector<1x1x16xf32>
        tpu.vector_store %arg10[%swap3A_476, %swap3A_477, %swap3A_478], %swap3A_481 {strides = array<i32>} : memref<2x101x128xf32, #tpu.memory_space<vmem>>, vector<1x1x16xf32>,
        %get3A_482 = arith.constant 0 : i32
        %get3A_483 = arith.index_cast %get3A_482 : i32 to index
        %get3A_484 = arith.constant 96 : index
        %get3A_485 = tpu.vector_load %arg6[%get3A_483, %get3A_484] {strides = array<i32>} : memref<101x128xf32, #tpu.memory_space<vmem>>, vector<1x16xf32>,
        %get3A_486 = vector.shape_cast %get3A_485 : vector<1x16xf32> to vector<16xf32>
        %swap3A_487 = arith.constant 1 : i32
        %swap3A_488 = arith.constant 0 : i32
        %swap3A_489 = arith.index_cast %swap3A_487 : i32 to index
        %swap3A_490 = arith.index_cast %swap3A_488 : i32 to index
        %swap3A_491 = arith.constant 96 : index
        %swap3A_492 = tpu.vector_load %arg10[%swap3A_489, %swap3A_490, %swap3A_491] {strides = array<i32>} : memref<2x101x128xf32, #tpu.memory_space<vmem>>, vector<1x1x16xf32>,
        %swap3A_493 = vector.shape_cast %swap3A_492 : vector<1x1x16xf32> to vector<16xf32>
        %swap3A_494 = vector.shape_cast %get3A_486 : vector<16xf32> to vector<1x1x16xf32>
        tpu.vector_store %arg10[%swap3A_489, %swap3A_490, %swap3A_491], %swap3A_494 {strides = array<i32>} : memref<2x101x128xf32, #tpu.memory_space<vmem>>, vector<1x1x16xf32>,
        %get3A_495 = arith.constant 0 : i32
        %get3A_496 = arith.index_cast %get3A_495 : i32 to index
        %get3A_497 = arith.constant 112 : index
        %get3A_498 = tpu.vector_load %arg6[%get3A_496, %get3A_497] {strides = array<i32>} : memref<101x128xf32, #tpu.memory_space<vmem>>, vector<1x16xf32>,
        %get3A_499 = vector.shape_cast %get3A_498 : vector<1x16xf32> to vector<16xf32>
        %swap3A_500 = arith.constant 1 : i32
        %swap3A_501 = arith.constant 0 : i32
        %swap3A_502 = arith.index_cast %swap3A_500 : i32 to index
        %swap3A_503 = arith.index_cast %swap3A_501 : i32 to index
        %swap3A_504 = arith.constant 112 : index
        %swap3A_505 = tpu.vector_load %arg10[%swap3A_502, %swap3A_503, %swap3A_504] {strides = array<i32>} : memref<2x101x128xf32, #tpu.memory_space<vmem>>, vector<1x1x16xf32>,
        %swap3A_506 = vector.shape_cast %swap3A_505 : vector<1x1x16xf32> to vector<16xf32>
        %swap3A_507 = vector.shape_cast %get3A_499 : vector<16xf32> to vector<1x1x16xf32>
        tpu.vector_store %arg10[%swap3A_502, %swap3A_503, %swap3A_504], %swap3A_507 {strides = array<i32>} : memref<2x101x128xf32, #tpu.memory_space<vmem>>, vector<1x1x16xf32>,
        %dma_start3A_508 = arith.constant 0 : i32
        %dma_start3A_509 = arith.constant 0 : i32
        %dma_start3A_510 = tpu.memref_slice %arg5[%add3A_283, %dma_start3A_508, %dma_start3A_509] : memref<16384x101x128xf32, #tpu.memory_space<hbm>> -> memref<2x101x128xf32, #tpu.memory_space<hbm>>
        %dma_start3A_511 = arith.constant 0 : i32
        %dma_start3A_512 = arith.constant 0 : i32
        %dma_start3A_513 = tpu.memref_slice %arg5[%add3A_283, %dma_start3A_511, %dma_start3A_512] : memref<16384x101x128xf32, #tpu.memory_space<hbm>> -> memref<2x101x128xf32, #tpu.memory_space<hbm>>
        tpu.enqueue_dma source(%arg10 : memref<2x101x128xf32, #tpu.memory_space<vmem>>) target(%dma_start3A_513 : memref<2x101x128xf32, #tpu.memory_space<hbm>>) target_semaphore(%arg12 : memref<!tpu.dma_semaphore, #tpu.memory_space<semaphore_mem>>)
      }
      %scan3A_39 = arith.constant 4 : i32
    }
    %scan3A_9 = arith.constant 4 : i32
    %add3A_10 = arith.constant 64 : i32
    %add3A_11 = arith.addi %add3A_4, %add3A_10 : i32
    %sub3A = arith.constant 4 : i32
    %sub3A_12 = arith.subi %add3A_11, %sub3A : i32
    %dma_wait3A = arith.constant 0 : i32
    %dma_wait3A_13 = arith.constant 0 : i32
    %dma_wait3A_14 = tpu.memref_slice %arg5[%sub3A_12, %dma_wait3A, %dma_wait3A_13] : memref<16384x101x128xf32, #tpu.memory_space<hbm>> -> memref<2x101x128xf32, #tpu.memory_space<hbm>>
    %dma_wait3A_15 = arith.constant 0 : i32
    %dma_wait3A_16 = arith.constant 0 : i32
    %dma_wait3A_17 = tpu.memref_slice %arg5[%sub3A_12, %dma_wait3A_15, %dma_wait3A_16] : memref<16384x101x128xf32, #tpu.memory_space<hbm>> -> memref<2x101x128xf32, #tpu.memory_space<hbm>>
    tpu.wait_dma2 semaphore(%arg11 : memref<!tpu.dma_semaphore, #tpu.memory_space<semaphore_mem>>) src(%arg9 : memref<2x101x128xf32, #tpu.memory_space<vmem>>) dst(%dma_wait3A_17 : memref<2x101x128xf32, #tpu.memory_space<hbm>>)
    %add3A_18 = arith.constant 64 : i32
    %add3A_19 = arith.addi %add3A_4, %add3A_18 : i32
    %sub3A_20 = arith.constant 2 : i32
    %sub3A_21 = arith.subi %add3A_19, %sub3A_20 : i32
    %dma_wait3A_22 = arith.constant 0 : i32
    %dma_wait3A_23 = arith.constant 0 : i32
    %dma_wait3A_24 = tpu.memref_slice %arg5[%sub3A_21, %dma_wait3A_22, %dma_wait3A_23] : memref<16384x101x128xf32, #tpu.memory_space<hbm>> -> memref<2x101x128xf32, #tpu.memory_space<hbm>>
    %dma_wait3A_25 = arith.constant 0 : i32
    %dma_wait3A_26 = arith.constant 0 : i32
    %dma_wait3A_27 = tpu.memref_slice %arg5[%sub3A_21, %dma_wait3A_25, %dma_wait3A_26] : memref<16384x101x128xf32, #tpu.memory_space<hbm>> -> memref<2x101x128xf32, #tpu.memory_space<hbm>>
    tpu.wait_dma2 semaphore(%arg12 : memref<!tpu.dma_semaphore, #tpu.memory_space<semaphore_mem>>) src(%arg10 : memref<2x101x128xf32, #tpu.memory_space<vmem>>) dst(%dma_wait3A_27 : memref<2x101x128xf32, #tpu.memory_space<hbm>>)
    return
  }
}

module attributes {stable_mosaic.version = 14 : i64} {
  func.func @_tc_body(%arg0: i32, %arg1: memref<16384x101x128xf32, #tpu.memory_space<hbm>>, %arg2: memref<256x101xf32, #tpu.memory_space<vmem>>, %arg3: memref<101x128xf32, #tpu.memory_space<vmem>>, %arg4: memref<101x128xf32, #tpu.memory_space<vmem>>, %arg5: memref<256x101x128xf32, #tpu.memory_space<vmem>>) attributes {dimension_semantics = [#tpu.dimension_semantics<parallel>], iteration_bounds = array<i64: 56>, scalar_prefetch = 0 : i64, scratch_operands = 0 : i64, tpu.core_type = #tpu.core_type<tc>, window_params = [{}, {transform_indices = @transform_1, window_bounds = array<i64: 256, 101>}, {pipeline_mode = #tpu.pipeline_mode<synchronous>, transform_indices = @transform_2, window_bounds = array<i64: 101, 128>}, {pipeline_mode = #tpu.pipeline_mode<synchronous>, transform_indices = @transform_3, window_bounds = array<i64: 101, 128>}, {transform_indices = @transform_4, window_bounds = array<i64: 256, 101, 128>}]} {
    %get3A = arith.constant 0 : index
    %get3A_0 = arith.constant 0 : index
    %get3A_1 = vector.load %arg2[%get3A, %get3A_0] : memref<256x101xf32, #tpu.memory_space<vmem>>, vector<256x101xf32>
    %broadcast_in_dim3A = vector.shape_cast %get3A_1 : vector<256x101xf32> to vector<256x101x1xf32>
    %get3A_2 = arith.constant 0 : index
    %get3A_3 = arith.constant 0 : index
    %get3A_4 = vector.load %arg3[%get3A_2, %get3A_3] : memref<101x128xf32, #tpu.memory_space<vmem>>, vector<101x128xf32>
    %broadcast_in_dim3A_5 = vector.shape_cast %get3A_4 : vector<101x128xf32> to vector<1x101x128xf32>
    %mul3A = vector.broadcast %broadcast_in_dim3A : vector<256x101x1xf32> to vector<256x101x128xf32>
    %mul3A_6 = vector.broadcast %broadcast_in_dim3A_5 : vector<1x101x128xf32> to vector<256x101x128xf32>
    %mul3A_7 = arith.mulf %mul3A, %mul3A_6 : vector<256x101x128xf32>
    %get3A_8 = arith.constant 0 : index
    %get3A_9 = arith.constant 0 : index
    %get3A_10 = vector.load %arg4[%get3A_8, %get3A_9] : memref<101x128xf32, #tpu.memory_space<vmem>>, vector<101x128xf32>
    %broadcast_in_dim3A_11 = vector.shape_cast %get3A_10 : vector<101x128xf32> to vector<1x101x128xf32>
    %add3A = vector.broadcast %broadcast_in_dim3A_11 : vector<1x101x128xf32> to vector<256x101x128xf32>
    %add3A_12 = arith.addf %mul3A_7, %add3A : vector<256x101x128xf32>
    %swap3A = arith.constant 0 : index
    %swap3A_13 = arith.constant 0 : index
    %swap3A_14 = arith.constant 0 : index
    %swap3A_15 = vector.load %arg5[%swap3A, %swap3A_13, %swap3A_14] : memref<256x101x128xf32, #tpu.memory_space<vmem>>, vector<256x101x128xf32>
    tpu.vector_store %arg5[%swap3A, %swap3A_13, %swap3A_14], %add3A_12 {strides = array<i32>} : memref<256x101x128xf32, #tpu.memory_space<vmem>>, vector<256x101x128xf32>,
    return
  }
  func.func @transform_1(%arg0: i32) -> (i32, i32) {
    %c0_i32 = arith.constant 0 : i32
    %c0_i32_0 = arith.constant 0 : i32
    return %arg0, %c0_i32 : i32, i32
  }
  func.func @transform_2(%arg0: i32) -> (i32, i32) {
    %c0_i32 = arith.constant 0 : i32
    %c0_i32_0 = arith.constant 0 : i32
    %c0_i32_1 = arith.constant 0 : i32
    return %c0_i32, %c0_i32_0 : i32, i32
  }
  func.func @transform_3(%arg0: i32) -> (i32, i32) {
    %c0_i32 = arith.constant 0 : i32
    %c0_i32_0 = arith.constant 0 : i32
    %c0_i32_1 = arith.constant 0 : i32
    return %c0_i32, %c0_i32_0 : i32, i32
  }
  func.func @transform_4(%arg0: i32) -> (i32, i32, i32) {
    %c0_i32 = arith.constant 0 : i32
    %c0_i32_0 = arith.constant 0 : i32
    %c0_i32_1 = arith.constant 0 : i32
    return %arg0, %c0_i32, %c0_i32_0 : i32, i32, i32
  }
}

</mosaic_0001>

<sc_bundles>
// kernel: kernel.4.cloned.1.call-start
scs
__scs_entry_jumppad:
0x0: {  	(pc) =	sbr.rel $0x88, $3  }
0x1: {  	(tag) =	ssettag $0x0;
	lr =	simm.s32 $0x1  }
0x2: {  	[smem:$0x3F9E] =	sst lr;
	_ =	strace $0xD0000000  }
0x3: {  	_ = 	snop  }
0x4: {  	_ = 	snop  }
0x5: {  	_ = 	snop  }
0x6: {  	_ = 	snop  }
0x7: {  	_ = 	snop  }
__scs_overlays_trampoline_lowered:
0x8: {  	[smem:$0x3FAD] =	sst s0  }
0x9: {  	[smem:$0x3FAE] =	sst s1  }
0xa: {  	[smem:$0x3FAF] =	sst s2  }
0xb: {  	[smem:$0x3FB0] =	sst s3  }
0xc: {  	[smem:$0x3FB1] =	sst s4  }
0xd: {  	[smem:$0x3FB2] =	sst s5  }
0xe: {  	[smem:$0x3FB3] =	sst s6  }
0xf: {  	[smem:$0x3FB4] =	sst s7  }
0x10: {  	[smem:$0x3FB5] =	sst s8  }
0x11: {  	[smem:$0x3FB6] =	sst s9;
	s0 =	simm.s32 @!p0 $0x0  }
0x12: {  	s1 =	sld [smem:$0x3F9C];
	s0 =	simm.s32 @p0 $0x1  }
0x13: {  	[smem:$0x3FB7] =	sst s0;
	s0 =	simm.s32 @!p1 $0x0  }
0x14: {  	s2 =	sld [smem:$0x3F9B];
	s0 =	simm.s32 @p1 $0x1  }
0x15: {  	[smem:$0x3FB8] =	sst s0;
	s0 =	simm.s32 @!p2 $0x0  }
0x16: {  	s3 =	sld [smem:$0x3FDB];
	s0 =	simm.s32 @p2 $0x1  }
0x17: {  	s4 =	simm.s32 $0x1BF5;
	[smem:$0x3FBA] =	sst s0  }
0x18: {  	s0 =	sld [smem:$0x3F9D];
	_ =	swait.ge [sflag:s4], $0x0  }
0x19: {  	s7 =	sld [smem:$0x3F9E]  }
0x1a: {  	s8 =	sadd.s32 $0xFFFFE003, lr  }
0x1b: {  	s9 =	sadd.s32 $0xFFFFFEF7, lr;
	s5 =	simm.s32 $0xFFFFFFFF;
	p2 =	slt.u32 s8, $0xFFFFF086  }
0x1c: {  	p1 =	slt.u32 s9, $0xF7A;
	s5 =	simm.s32 @!p2 $0x0  }
0x1d: {  	s5 =	simm.s32 @p1 $0x1;
	p0 =	seq.s32 s7, s2  }
0x1e: {  	s7 =	smul.u32 @!p0 $0xF7A, s2;
	p2 =	seq.s32 @!p0 s5, $0x0  }
0x1f: {  	s9 =	smul.u32 $0xF7A, s1;
	s8 =	simm.s32 @!p0 $0x1BF5;
	p2 =	por !p2, p0  }
0x20: {  	[sflag:s8] =	ssyncset.s32 @!p0 $0xFFFFF086;
	s6 =	sadd.s32 @!p0 s3, s7;
	s7 =	simm.s32 @!p0 $0x108  }
0x21: {  	s3 =	sadd.s32 s3, s9;
	s6 =	sadd.s32 @!p0 $0x88, s6;
	s7 =	simm.s32 @p2 $0x1082  }
0x22: {  	[simem:s7], [sflag:s8] =	dma.local @!p0 [hbm:s6], $0xF7A  }
0x23: {  	s9 =	sor.u32 $0xD0000000, s2;
	s6 =	simm.s32 $0x108;
	_ =	swait.ge @!p0 [sflag:s8], $0x0  }
0x24: {  	s3 =	sadd.s32 $0x88, s3;
	s6 =	simm.s32 @!p1 $0x1082;
	[sflag:s4] =	ssyncset.s32 $0xFFFFF086  }
0x25: {  	[simem:s6], [sflag:s4] =	dma.local [hbm:s3], $0xF7A  }
0x26: {  	[smem:$0x3F9E] =	sst s1;
	(tag) =	ssettag s2;
	_ =	strace s9  }
0x27: {  	s1 =	sld [smem:$0x3FAE]  }
0x28: {  	s2 =	sld [smem:$0x3FAF]  }
0x29: {  	s4 =	sld [smem:$0x3FB1]  }
0x2a: {  	p0 =	seq.s32 s5, $0x0;
	s5 =	sld [smem:$0x3FB2]  }
0x2b: {  	s6 =	sld [smem:$0x3FB3]  }
0x2c: {  	s7 =	sld [smem:$0x3FB4]  }
0x2d: {  	s3 =	simm.s32 $0x108;
	s8 =	sld [smem:$0x3FB5]  }
0x2e: {  	s3 =	simm.s32 @!p0 $0x1082;
	s9 =	sld [smem:$0x3FB6]  }
0x2f: {  	lr =	sadd.s32 s0, s3;
	s0 =	sld [smem:$0x3FAD]  }
0x30: {  	s3 =	sld [smem:$0x3FB0]  }
0x31: {  	[smem:$0x3FB9] =	sst s10  }
0x32: {  	s10 =	sld [smem:$0x3FB7];
	_ =	sdelay $0x3  }
0x33: {  	p0 =	seq.s32 s10, $0x1;
	s10 =	sld [smem:$0x3FB9];
	_ =	sdelay $0x3  }
0x34: {  	[smem:$0x3FB9] =	sst s10  }
0x35: {  	s10 =	sld [smem:$0x3FB8];
	_ =	sdelay $0x3  }
0x36: {  	p1 =	seq.s32 s10, $0x1;
	s10 =	sld [smem:$0x3FB9];
	_ =	sdelay $0x3  }
0x37: {  	[smem:$0x3FB9] =	sst s10  }
0x38: {  	s10 =	sld [smem:$0x3FBA]  }
0x39: {  	_ = 	snop;
	(pc) =	sbr.ind lr, $3  }
0x3a: {  	_ = 	snop  }
0x3b: {  	_ = 	snop  }
0x3c: {  	p2 =	seq.s32 s10, $0x1;
	s10 =	sld [smem:$0x3FB9]  }
0x3d: {  	_ =	shalt  }
0x3e: {  	_ =	shalt  }
0x3f: {  	_ =	shalt  }
0x40: {  	_ =	shalt  }
0x41: {  	_ =	shalt  }
0x42: {  	_ =	shalt  }
0x43: {  	_ =	shalt  }
0x44: {  	_ =	shalt  }
0x45: {  	_ =	shalt  }
0x46: {  	_ =	shalt  }
0x47: {  	_ =	shalt  }
0x48: {  	_ =	shalt  }
0x49: {  	_ =	shalt  }
0x4a: {  	_ =	shalt  }
0x4b: {  	_ =	shalt  }
0x4c: {  	_ =	shalt  }
0x4d: {  	_ =	shalt  }
0x4e: {  	_ =	shalt  }
0x4f: {  	_ =	shalt  }
0x50: {  	_ =	shalt  }
0x51: {  	_ =	shalt  }
0x52: {  	_ =	shalt  }
0x53: {  	_ =	shalt  }
0x54: {  	_ =	shalt  }
0x55: {  	_ =	shalt  }
0x56: {  	_ =	shalt  }
0x57: {  	_ =	shalt  }
0x58: {  	_ =	shalt  }
0x59: {  	_ =	shalt  }
0x5a: {  	_ =	shalt  }
0x5b: {  	_ =	shalt  }
0x5c: {  	_ =	shalt  }
0x5d: {  	_ =	shalt  }
0x5e: {  	_ =	shalt  }
0x5f: {  	_ =	shalt  }
0x60: {  	_ =	shalt  }
0x61: {  	_ =	shalt  }
0x62: {  	_ =	shalt  }
0x63: {  	_ =	shalt  }
0x64: {  	_ =	shalt  }
0x65: {  	_ =	shalt  }
0x66: {  	_ =	shalt  }
0x67: {  	_ =	shalt  }
0x68: {  	_ =	shalt  }
0x69: {  	_ =	shalt  }
0x6a: {  	_ =	shalt  }
0x6b: {  	_ =	shalt  }
0x6c: {  	_ =	shalt  }
0x6d: {  	_ =	shalt  }
0x6e: {  	_ =	shalt  }
0x6f: {  	_ =	shalt  }
0x70: {  	_ =	shalt  }
0x71: {  	_ =	shalt  }
0x72: {  	_ =	shalt  }
0x73: {  	_ =	shalt  }
0x74: {  	_ =	shalt  }
0x75: {  	_ =	shalt  }
0x76: {  	_ =	shalt  }
0x77: {  	_ =	shalt  }
0x78: {  	_ =	shalt  }
0x79: {  	_ =	shalt  }
0x7a: {  	_ =	shalt  }
0x7b: {  	_ =	shalt  }
0x7c: {  	_ =	shalt  }
0x7d: {  	_ =	shalt  }
0x7e: {  	_ =	shalt  }
0x7f: {  	_ =	shalt  }
0x80: {  	_ =	shalt  }
0x81: {  	_ =	shalt  }
0x82: {  	_ =	shalt  }
0x83: {  	_ =	shalt  }
0x84: {  	_ =	shalt  }
0x85: {  	_ =	shalt  }
0x86: {  	_ =	shalt  }
0x87: {  	_ =	shalt  }
.Lfunc_end0:
.L_simem_size_0:
called_computation_lowered:
.L_overlay_start_0:
0x88: {  	s2 =	sld [smem:$0x3FD9]  }
0x89: {  	s3 =	sld [smem:$0x3FFE];
	_ =	sdelay $0x1  }
0x8a: {  	s1 =	srdreg.scid  }
0x8b: {  	s0 =	sand.u32 $0x1, s1  }
0x8c: {  	s17 =	sshll.u32 s0, $0xA;
	s2 =	sadd.s32 s3, s2  }
0x8d: {  	s2 =	sadd.s32 s2, s17  }
0x8e: {  	[smem:$0x3FC5] =	sst s2  }
0x8f: {  	_ = 	snop  }
0x90: {  	s2 =	sld [smem:$0x3FC8]  }
0x91: {  	s18 =	sld [smem:$0x3FC7]  }
0x92: {  	s4 =	sld [smem:$0x3FD0];
	(tm) =	ssettm $0x1  }
0x93: {  	s5 =	sld [smem:$0x3FFB];
	_ =	sdelay $0x3  }
0x94: {  	_ =	strace s5  }
0x95: {  	s5 =	sld [smem:$0x3FFC];
	_ =	sdelay $0x3  }
0x96: {  	_ =	strace s5  }
0x97: {  	s5 =	sld [smem:$0x3FFD];
	_ =	sdelay $0x3  }
0x98: {  	_ =	strace s5  }
0x99: {  	_ =	strace $0x8FFFFFFF  }
0x9a: {  	s19 =	sld [smem:$0x3FDB];
	_ =	sdelay $0x1  }
0x9b: {  	s6 =	simm.s32 $_scs_section_size  }
0x9c: {  	s7 =	simm.s32 $_size__tile_overlayer_lowered;
	s8 =	simm.s32 $_tile_overlayer_lowered  }
0x9d: {  	s22 =	simm.s32 $0x1BFF;
	s21 =	sshll.u32 s8, $0x1;
	s5 =	sadd.s32 s6, s19  }
0x9e: {  	s9 =	simm.s32 $0x0;
	s20 =	sshll.u32 s7, $0x1;
	s7 =	sadd.s32 s21, s5  }
0x9f: {  	[timem:s9], [sflag:s22] =	dma.local [hbm:s7], s20  }
0xa0: {  	_ =	swait.ge [sflag:s22], s20  }
0xa1: {  	s6 =	ssub.s32 $0x0, s20;
	[sflag:s22] =	ssyncset.done $0x0  }
0xa2: {  	[sflag:s22] =	ssyncadd.s32 s6;
	_ =	sdelay $0x1  }
0xa3: {  	s23 =	simm.s32 $0x1B8B  }
0xa4: {  	_ =	swait.ge [sflag:s23], $0x1  }
0xa5: {  	[sflag:s23] =	ssyncset.done $0x0  }
0xa6: {  	s25 =	simm.s32 $0x1B8E;
	s24 =	sld [smem:$0x3FFE];
	[sflag:s23] =	ssyncadd.s32 $0xFFFFFFFF  }
0xa7: {  	s26 =	simm.s32 $execute0_lowered;
	[smem:$0x3FD2] =	sst s25  }
0xa8: {  	s7 =	sshll.u32 s26, $0x1;
	_ =	strace $0x80000046;
	[dreg:$0x1] =	wrdreg $0xFFFFFFFF  }
0xa9: {  	s28 =	simm.s32 $_size_execute0_lowered;
	s5 =	sadd.s32 s5, s7;
	[dreg:$0x0] =	wrdreg $0x0  }
0xaa: {  	s7 =	sshll.u32 s28, $0x1;
	[dreg:$0x2] =	wrdreg s5  }
0xab: {  	[dreg:$0x3] =	wrdreg s7  }
0xac: {  	[dreg:$0x4] =	wrdreg $0xC0  }
0xad: {  	_ =	task [dreg:s9], $0x5FFFF  }
0xae: {  	[dreg:$0x1] =	wrdreg $0xFFFFFFFF  }
0xaf: {  	[dreg:$0x0] =	wrdreg $0x60  }
0xb0: {  	[dreg:$0x2] =	wrdreg s4  }
0xb1: {  	[dreg:$0x3] =	wrdreg s2  }
0xb2: {  	[dreg:$0x4] =	wrdreg s18  }
0xb3: {  	[dreg:$0x5] =	wrdreg s24  }
0xb4: {  	[dreg:$0x6] =	wrdreg $0x9  }
0xb5: {  	_ =	task.clear_ibuf [dreg:s9], $0x7FFFF;
	_ =	strace $0x90000046  }
0xb6: {  	s29 =	simm.s32 $0x9;
	_ =	strace $0x80000048  }
0xb7: {  	_ =	swait.ge [sflag:s29], $0x1  }
0xb8: {  	[sflag:s29] =	ssyncadd.s32 $0xFFFFFFFF  }
0xb9: {  	_ =	strace $0x90000048  }
0xba: {  	_ =	sfence  }
0xbb: {  	s30 =	sld [smem:$0x0];
	_ =	sdelay $0x2  }
0xbc: {  	s31 =	sshll.u32 s1, $0xD;
	s1 =	sshrl.u32 s1, $0x2  }
0xbd: {  	s3 =	sand.u32 $0x4000, s31;
	s1 =	sadd.s32 s1, s30  }
0xbe: {  	s0 =	sor.u32 s3, s0;
	s1 =	sshll.u32 s1, $0x11  }
0xbf: {  	s0 =	sor.u32 s1, s0  }
0xc0: {  	s0 =	sadd.s32 $0x8F2B, s0  }
0xc1: {  	[sflag:s0] =	ssyncadd.remote.s32 $0x1  }
0xc2: {  	_ =	sfence.sel $0xFFFF  }
0xc3: {  	[dreg:$0x0] =	wrdreg $0xFFFFFFFF;
	(pc) =	sbr.abs _section_cstart, $3  }
0xc4: {  	[dreg:$0x1] =	wrdreg $0xFFFFFFFF  }
0xc5: {  	_ =	task.clear_ibuf [dreg:s9], $0x2FFFF;
	_ =	strace $0x9FFFFFFF  }
0xc6: {  	(tm) =	ssettm $0x7FFFFFFF  }
0xc7: {  	_ =	shalt  }
tec
execute0_lowered:
.L_overlay_start_1:
0x0: {  	(tag) =	ssettag $0x1  }
0x1: {  	s1 =	rddreg [dreg:$0x0]  }
0x2: {  	s0 =	rddreg [dreg:$0x3];
	s2 =	srdreg.scid;
	s4 =	simm.s32 $0x0  }
0x3: {  	s6 =	stileid.u32;
	s9 =	simm.s32 $0x3;
	s11 =	simm.s32 $0x7000  }
0x4: {  	s12 =	simm.s32 $0xA400;
	s13 =	simm.s32 $0xD800;
	s14 =	simm.s32 $0x10C00  }
0x5: {  	s15 =	simm.s32 $0x1;
	s16 =	simm.s32 $0x2;
	s2 =	sand.u32 $0x1, s2  }
0x6: {  	s17 =	simm.s32 $0x0;
	s19 =	simm.s32 $0x0;
	s3 =	ssub.s32 $0x2, s2  }
0x7: {  	[smem:$0x7FF] =	sst s4;
	s31 =	sshll.u32 s6, $0x7;
	s5 =	sshrl.u32 s3, $0x1  }
0x8: {  	s6 =	sadd.s32 $0xC00, s0;
	s2 =	sshll.u32 s2, $0x6;
	s3 =	ssub.s32 s3, s5  }
0x9: {  	_ =	strace $0x80000047;
	s7 =	sor.u32 s2, s31;
	s8 =	smax.u32 s3, $0x1  }
.LBB2_1:
0xa: {  	s0 =	rddreg [dreg:$0x1]  }
0xb: {  	[tilespmem:s4], [sflag:$0x3] =	stream.linear.gather [hbm4b:s0+s4], $0x3280, $0x38;
	[tilespmem:$0x14000] =	vst v63  }
0xc: {  	_ =	swait.ge [sflag:s9], $0x3280  }
0xd: {  	[sflag:s9] =	ssyncset.done $0x0  }
0xe: {  	[sflag:s9] =	ssyncadd.s32 $0xFFFFCD80  }
0xf: {  	s2 =	simm.s32 $0x3400;
	s31 =	rddreg [dreg:$0x2]  }
0x10: {  	[tilespmem:s2], [sflag:$0x3] =	stream.linear.gather [hbm4b:s31+s4], $0x3200, $0x38;
	[tilespmem:$0x14000] =	vst v63  }
0x11: {  	_ =	swait.ge [sflag:s9], $0x3200  }
0x12: {  	[sflag:s9] =	ssyncset.done $0x0  }
0x13: {  	s18 =	simm.s32 $0x0;
	[sflag:s9] =	ssyncadd.s32 $0xFFFFCE00  }
.LBB2_2:
0x14: {  	s0 =	sshll.u32 s18, $0x4  }
0x15: {  	s0 =	sadd.s32 s7, s0  }
0x16: {  	s2 =	sshll.u32 s0, $0x4  }
0x17: {  	s20 =	simm.s32 $0x6800;
	s2 =	sadd.s32 s1, s2  }
0x18: {  	[tilespmem:s20], [sflag:$0x3] =	stream.linear.gather [hbm4b:s2+s19], $0x800, $0x38;
	[tilespmem:$0x14000] =	vst v63  }
0x19: {  	_ =	swait.ge [sflag:s9], $0x800  }
0x1a: {  	s22 =	simm.s32 $0x6980;
	s23 =	simm.s32 $0x6900;
	[sflag:s9] =	ssyncset.done $0x0  }
0x1b: {  	s24 =	simm.s32 $0x0;
	s21 =	sor.u32 $0x3800, s0;
	[sflag:s9] =	ssyncadd.s32 $0xFFFFF800  }
.LBB2_3:
0x1c: {  	s0 =	sor.u32 s18, s24  }
0x1d: {  	p0 =	seq.s32 s0, $0x0  }
0x1e: {  	s0 =	simm.s32 @!p0 $0x1  }
0x1f: {  	_ =	swait.ge @!p0 [sflag:s0], $0x6500  }
0x20: {  	s2 =	sand.u32 $0x3FFFFF80, s19;
	[sflag:s0] =	ssyncset.done @!p0 $0x0  }
0x21: {  	s2 =	sadd.s32 s2, s20;
	[sflag:s0] =	ssyncadd.s32 @!p0 $0xFFFF9B00  }
0x22: {  	s5 =	simm.s32 $0xF0;
	v0 =	vld.msk [tilespmem:s2+$0x0 ss:$0x0], $0xffff  }
0x23: {  	v1 =	vld [tilespmem:s5+$0xFFFFFF90]  }
0x24: {  	s28 =	simm.s32 $0x3440  }
0x25: {  	v2 =	vld [tilespmem:s28+$0xFFFFFFC0];
	_ =	sdelay $0x2  }
0x26: {  	v1 =	vmul.f32 v1, v0;
	_ =	sdelay $0x1  }
0x27: {  	v1 =	vadd.f32 v2, v1  }
0x28: {  	s31 =	simm.s32 $0xA4F0  }
0x29: {  	[tilespmem:s31+$0xFFFFCB90] =	vst v1  }
0x2a: {  	v1 =	vld [tilespmem:s5+$0xFFFFFFA0];
	_ =	sdelay $0x1  }
0x2b: {  	v2 =	vld [tilespmem:s28+$0xFFFFFFD0];
	_ =	sdelay $0x2  }
0x2c: {  	v1 =	vmul.f32 v1, v0;
	_ =	sdelay $0x1  }
0x2d: {  	v1 =	vadd.f32 v2, v1;
	_ =	sdelay $0x1  }
0x2e: {  	[tilespmem:s31+$0xFFFFCBA0] =	vst v1  }
0x2f: {  	v1 =	vld [tilespmem:s5+$0xFFFFFFB0];
	_ =	sdelay $0x1  }
0x30: {  	v2 =	vld [tilespmem:s28+$0xFFFFFFE0];
	_ =	sdelay $0x2  }
0x31: {  	v1 =	vmul.f32 v1, v0;
	_ =	sdelay $0x1  }
0x32: {  	v1 =	vadd.f32 v2, v1;
	_ =	sdelay $0x1  }
0x33: {  	[tilespmem:s31+$0xFFFFCBB0] =	vst v1  }
0x34: {  	v1 =	vld [tilespmem:s5+$0xFFFFFFC0];
	_ =	sdelay $0x1  }
0x35: {  	v2 =	vld [tilespmem:s28+$0xFFFFFFF0];
	_ =	sdelay $0x2  }
0x36: {  	v1 =	vmul.f32 v1, v0;
	_ =	sdelay $0x1  }
0x37: {  	v1 =	vadd.f32 v2, v1;
	_ =	sdelay $0x1  }
0x38: {  	[tilespmem:s31+$0xFFFFCBC0] =	vst v1  }
0x39: {  	v1 =	vld [tilespmem:s5+$0xFFFFFFD0];
	_ =	sdelay $0x1  }
0x3a: {  	v2 =	vld [tilespmem:s28+$0x0];
	_ =	sdelay $0x2  }
0x3b: {  	v1 =	vmul.f32 v1, v0;
	_ =	sdelay $0x1  }
0x3c: {  	v1 =	vadd.f32 v2, v1;
	_ =	sdelay $0x1  }
0x3d: {  	[tilespmem:s31+$0xFFFFCBD0] =	vst v1  }
0x3e: {  	v1 =	vld [tilespmem:s5+$0xFFFFFFE0];
	_ =	sdelay $0x1  }
0x3f: {  	v2 =	vld [tilespmem:s28+$0x10];
	_ =	sdelay $0x2  }
0x40: {  	v1 =	vmul.f32 v1, v0;
	_ =	sdelay $0x1  }
0x41: {  	v1 =	vadd.f32 v2, v1;
	_ =	sdelay $0x1  }
0x42: {  	[tilespmem:s31+$0xFFFFCBE0] =	vst v1  }
0x43: {  	v1 =	vld [tilespmem:s5+$0xFFFFFFF0];
	_ =	sdelay $0x1  }
0x44: {  	v2 =	vld [tilespmem:s28+$0x20];
	_ =	sdelay $0x2  }
0x45: {  	v1 =	vmul.f32 v1, v0;
	_ =	sdelay $0x1  }
0x46: {  	v1 =	vadd.f32 v2, v1;
	_ =	sdelay $0x1  }
0x47: {  	[tilespmem:s31+$0xFFFFCBF0] =	vst v1  }
0x48: {  	v1 =	vld [tilespmem:s5+$0x0];
	_ =	sdelay $0x1  }
0x49: {  	v2 =	vld [tilespmem:s28+$0x30];
	_ =	sdelay $0x2  }
0x4a: {  	v0 =	vmul.f32 v1, v0;
	_ =	sdelay $0x1  }
0x4b: {  	v0 =	vadd.f32 v2, v0;
	_ =	sdelay $0x1  }
0x4c: {  	[tilespmem:s31+$0xFFFFCC00] =	vst v0  }
0x4d: {  	v0 =	vld.msk [tilespmem:s2+$0x80 ss:$0x0], $0xffff  }
0x4e: {  	v1 =	vld [tilespmem:s5+$0xFFFFFF90];
	_ =	sdelay $0x1  }
0x4f: {  	v2 =	vld [tilespmem:s28+$0xFFFFFFC0];
	_ =	sdelay $0x2  }
0x50: {  	v1 =	vmul.f32 v1, v0;
	_ =	sdelay $0x1  }
0x51: {  	v1 =	vadd.f32 v2, v1;
	_ =	sdelay $0x1  }
0x52: {  	[tilespmem:s31+$0xFFFFFF90] =	vst v1  }
0x53: {  	v1 =	vld [tilespmem:s5+$0xFFFFFFA0];
	_ =	sdelay $0x1  }
0x54: {  	v2 =	vld [tilespmem:s28+$0xFFFFFFD0];
	_ =	sdelay $0x2  }
0x55: {  	v1 =	vmul.f32 v1, v0;
	_ =	sdelay $0x1  }
0x56: {  	v1 =	vadd.f32 v2, v1;
	_ =	sdelay $0x1  }
0x57: {  	[tilespmem:s31+$0xFFFFFFA0] =	vst v1  }
0x58: {  	v1 =	vld [tilespmem:s5+$0xFFFFFFB0];
	_ =	sdelay $0x1  }
0x59: {  	v2 =	vld [tilespmem:s28+$0xFFFFFFE0];
	_ =	sdelay $0x2  }
0x5a: {  	v1 =	vmul.f32 v1, v0;
	_ =	sdelay $0x1  }
0x5b: {  	v1 =	vadd.f32 v2, v1;
	_ =	sdelay $0x1  }
0x5c: {  	[tilespmem:s31+$0xFFFFFFB0] =	vst v1  }
0x5d: {  	v1 =	vld [tilespmem:s5+$0xFFFFFFC0];
	_ =	sdelay $0x1  }
0x5e: {  	v2 =	vld [tilespmem:s28+$0xFFFFFFF0];
	_ =	sdelay $0x2  }
0x5f: {  	v1 =	vmul.f32 v1, v0;
	_ =	sdelay $0x1  }
0x60: {  	v1 =	vadd.f32 v2, v1;
	_ =	sdelay $0x1  }
0x61: {  	[tilespmem:s31+$0xFFFFFFC0] =	vst v1  }
0x62: {  	v1 =	vld [tilespmem:s5+$0xFFFFFFD0];
	_ =	sdelay $0x1  }
0x63: {  	v2 =	vld [tilespmem:s28+$0x0];
	_ =	sdelay $0x2  }
0x64: {  	v1 =	vmul.f32 v1, v0;
	_ =	sdelay $0x1  }
0x65: {  	v1 =	vadd.f32 v2, v1;
	_ =	sdelay $0x1  }
0x66: {  	[tilespmem:s31+$0xFFFFFFD0] =	vst v1  }
0x67: {  	v1 =	vld [tilespmem:s5+$0xFFFFFFE0];
	_ =	sdelay $0x1  }
0x68: {  	v2 =	vld [tilespmem:s28+$0x10];
	_ =	sdelay $0x2  }
0x69: {  	v1 =	vmul.f32 v1, v0;
	_ =	sdelay $0x1  }
0x6a: {  	v1 =	vadd.f32 v2, v1;
	_ =	sdelay $0x1  }
0x6b: {  	[tilespmem:s31+$0xFFFFFFE0] =	vst v1  }
0x6c: {  	v1 =	vld [tilespmem:s5+$0xFFFFFFF0];
	_ =	sdelay $0x1  }
0x6d: {  	v2 =	vld [tilespmem:s28+$0x20];
	_ =	sdelay $0x2  }
0x6e: {  	v1 =	vmul.f32 v1, v0;
	_ =	sdelay $0x1  }
0x6f: {  	v1 =	vadd.f32 v2, v1;
	_ =	sdelay $0x1  }
0x70: {  	[tilespmem:s31+$0xFFFFFFF0] =	vst v1  }
0x71: {  	v1 =	vld [tilespmem:s5+$0x0];
	_ =	sdelay $0x1  }
0x72: {  	v2 =	vld [tilespmem:s28+$0x30];
	_ =	sdelay $0x2  }
0x73: {  	s25 =	sshll.u32 s24, $0x2;
	s10 =	simm.s32 $0x1;
	v0 =	vmul.f32 v1, v0  }
0x74: {  	s30 =	simm.s32 $0x170;
	s29 =	simm.s32 $0xA570;
	s26 =	sadd.s32 s21, s25  }
0x75: {  	s0 =	sadd.s32 $0x1, s20;
	s2 =	sand.u32 $0x3FFFFF80, s10;
	s5 =	simm.s32 $0x2;
	v0 =	vadd.f32 v2, v0  }
.LBB2_4:
0x76: {  	s3 =	sadd.s32 s2, s0;
	s28 =	sadd.s32 $0x80, s28  }
0x77: {  	[tilespmem:s31+$0x0] =	vst v0;
	s2 =	smov.u32 s5;
	s10 =	sadd.s32 $0x1, s5;
	s31 =	smov.u32 s29  }
0x78: {  	p1 =	sne.s32 s5, $0x63;
	v0 =	vld.msk [tilespmem:s3+$0x0 ss:$0x0], $0xffff  }
0x79: {  	v1 =	vld [tilespmem:s30+$0xFFFFFF90];
	_ =	sdelay $0x1  }
0x7a: {  	v2 =	vld [tilespmem:s28+$0xFFFFFFC0];
	_ =	sdelay $0x2  }
0x7b: {  	v1 =	vmul.f32 v1, v0;
	_ =	sdelay $0x1  }
0x7c: {  	v1 =	vadd.f32 v2, v1;
	_ =	sdelay $0x1  }
0x7d: {  	[tilespmem:s29+$0xFFFFCB90] =	vst v1  }
0x7e: {  	v1 =	vld [tilespmem:s30+$0xFFFFFFA0];
	_ =	sdelay $0x1  }
0x7f: {  	v2 =	vld [tilespmem:s28+$0xFFFFFFD0];
	_ =	sdelay $0x2  }
0x80: {  	v1 =	vmul.f32 v1, v0;
	_ =	sdelay $0x1  }
0x81: {  	v1 =	vadd.f32 v2, v1;
	_ =	sdelay $0x1  }
0x82: {  	[tilespmem:s29+$0xFFFFCBA0] =	vst v1  }
0x83: {  	v1 =	vld [tilespmem:s30+$0xFFFFFFB0];
	_ =	sdelay $0x1  }
0x84: {  	v2 =	vld [tilespmem:s28+$0xFFFFFFE0];
	_ =	sdelay $0x2  }
0x85: {  	v1 =	vmul.f32 v1, v0;
	_ =	sdelay $0x1  }
0x86: {  	v1 =	vadd.f32 v2, v1;
	_ =	sdelay $0x1  }
0x87: {  	[tilespmem:s29+$0xFFFFCBB0] =	vst v1  }
0x88: {  	v1 =	vld [tilespmem:s30+$0xFFFFFFC0];
	_ =	sdelay $0x1  }
0x89: {  	v2 =	vld [tilespmem:s28+$0xFFFFFFF0];
	_ =	sdelay $0x2  }
0x8a: {  	v1 =	vmul.f32 v1, v0;
	_ =	sdelay $0x1  }
0x8b: {  	v1 =	vadd.f32 v2, v1;
	_ =	sdelay $0x1  }
0x8c: {  	[tilespmem:s29+$0xFFFFCBC0] =	vst v1  }
0x8d: {  	v1 =	vld [tilespmem:s30+$0xFFFFFFD0];
	_ =	sdelay $0x1  }
0x8e: {  	v2 =	vld [tilespmem:s28+$0x0];
	_ =	sdelay $0x2  }
0x8f: {  	v1 =	vmul.f32 v1, v0;
	_ =	sdelay $0x1  }
0x90: {  	v1 =	vadd.f32 v2, v1;
	_ =	sdelay $0x1  }
0x91: {  	[tilespmem:s29+$0xFFFFCBD0] =	vst v1  }
0x92: {  	v1 =	vld [tilespmem:s30+$0xFFFFFFE0];
	_ =	sdelay $0x1  }
0x93: {  	v2 =	vld [tilespmem:s28+$0x10];
	_ =	sdelay $0x2  }
0x94: {  	v1 =	vmul.f32 v1, v0;
	_ =	sdelay $0x1  }
0x95: {  	v1 =	vadd.f32 v2, v1;
	_ =	sdelay $0x1  }
0x96: {  	[tilespmem:s29+$0xFFFFCBE0] =	vst v1  }
0x97: {  	v1 =	vld [tilespmem:s30+$0xFFFFFFF0];
	_ =	sdelay $0x1  }
0x98: {  	v2 =	vld [tilespmem:s28+$0x20];
	_ =	sdelay $0x2  }
0x99: {  	v1 =	vmul.f32 v1, v0;
	_ =	sdelay $0x1  }
0x9a: {  	v1 =	vadd.f32 v2, v1;
	_ =	sdelay $0x1  }
0x9b: {  	[tilespmem:s29+$0xFFFFCBF0] =	vst v1  }
0x9c: {  	v1 =	vld [tilespmem:s30+$0x0];
	_ =	sdelay $0x1  }
0x9d: {  	v2 =	vld [tilespmem:s28+$0x30];
	_ =	sdelay $0x2  }
0x9e: {  	v0 =	vmul.f32 v1, v0;
	_ =	sdelay $0x1  }
0x9f: {  	v0 =	vadd.f32 v2, v0;
	_ =	sdelay $0x1  }
0xa0: {  	[tilespmem:s29+$0xFFFFCC00] =	vst v0  }
0xa1: {  	v0 =	vld.msk [tilespmem:s3+$0x80 ss:$0x0], $0xffff  }
0xa2: {  	v1 =	vld [tilespmem:s30+$0xFFFFFF90];
	_ =	sdelay $0x1  }
0xa3: {  	v2 =	vld [tilespmem:s28+$0xFFFFFFC0];
	_ =	sdelay $0x2  }
0xa4: {  	v1 =	vmul.f32 v1, v0;
	_ =	sdelay $0x1  }
0xa5: {  	v1 =	vadd.f32 v2, v1;
	_ =	sdelay $0x1  }
0xa6: {  	[tilespmem:s29+$0xFFFFFF90] =	vst v1  }
0xa7: {  	v1 =	vld [tilespmem:s30+$0xFFFFFFA0]  }
0xa8: {  	v2 =	vld [tilespmem:s28+$0xFFFFFFD0];
	_ =	sdelay $0x3  }
0xa9: {  	v1 =	vmul.f32 v1, v0;
	_ =	sdelay $0x1  }
0xaa: {  	v1 =	vadd.f32 v2, v1;
	_ =	sdelay $0x1  }
0xab: {  	[tilespmem:s29+$0xFFFFFFA0] =	vst v1  }
0xac: {  	v1 =	vld [tilespmem:s30+$0xFFFFFFB0]  }
0xad: {  	v2 =	vld [tilespmem:s28+$0xFFFFFFE0];
	_ =	sdelay $0x3  }
0xae: {  	v1 =	vmul.f32 v1, v0;
	_ =	sdelay $0x1  }
0xaf: {  	v1 =	vadd.f32 v2, v1;
	_ =	sdelay $0x1  }
0xb0: {  	[tilespmem:s29+$0xFFFFFFB0] =	vst v1  }
0xb1: {  	v1 =	vld [tilespmem:s30+$0xFFFFFFC0]  }
0xb2: {  	v2 =	vld [tilespmem:s28+$0xFFFFFFF0];
	_ =	sdelay $0x3  }
0xb3: {  	v1 =	vmul.f32 v1, v0;
	_ =	sdelay $0x1  }
0xb4: {  	v1 =	vadd.f32 v2, v1;
	_ =	sdelay $0x1  }
0xb5: {  	[tilespmem:s29+$0xFFFFFFC0] =	vst v1  }
0xb6: {  	v1 =	vld [tilespmem:s30+$0xFFFFFFD0]  }
0xb7: {  	v2 =	vld [tilespmem:s28+$0x0];
	_ =	sdelay $0x3  }
0xb8: {  	v1 =	vmul.f32 v1, v0;
	_ =	sdelay $0x1  }
0xb9: {  	v1 =	vadd.f32 v2, v1;
	_ =	sdelay $0x1  }
0xba: {  	[tilespmem:s29+$0xFFFFFFD0] =	vst v1  }
0xbb: {  	v1 =	vld [tilespmem:s30+$0xFFFFFFE0]  }
0xbc: {  	v2 =	vld [tilespmem:s28+$0x10];
	_ =	sdelay $0x3  }
0xbd: {  	v1 =	vmul.f32 v1, v0;
	_ =	sdelay $0x1  }
0xbe: {  	v1 =	vadd.f32 v2, v1;
	_ =	sdelay $0x1  }
0xbf: {  	[tilespmem:s29+$0xFFFFFFE0] =	vst v1  }
0xc0: {  	v1 =	vld [tilespmem:s30+$0xFFFFFFF0]  }
0xc1: {  	v2 =	vld [tilespmem:s28+$0x20];
	_ =	sdelay $0x3  }
0xc2: {  	v1 =	vmul.f32 v1, v0;
	_ =	sdelay $0x1  }
0xc3: {  	v1 =	vadd.f32 v2, v1;
	_ =	sdelay $0x1  }
0xc4: {  	[tilespmem:s29+$0xFFFFFFF0] =	vst v1  }
0xc5: {  	v1 =	vld [tilespmem:s30+$0x0]  }
0xc6: {  	v2 =	vld [tilespmem:s28+$0x30];
	_ =	sdelay $0x2  }
.Ltmp0:
0xc7: {  	(pc) =	sbr.rel @p1 .LBB2_4-.Ltmp0, $3  }
0xc8: {  	v0 =	vmul.f32 v1, v0;
	_ =	sdelay $0x1  }
0xc9: {  	s0 =	sadd.s32 $0x1, s0;
	s30 =	sadd.s32 $0x80, s30;
	v0 =	vadd.f32 v2, v0  }
0xca: {  	s2 =	sand.u32 $0x3FFFFF80, s2;
	s5 =	smov.u32 s10;
	s29 =	sadd.s32 $0x80, s29  }
0xcb: {  	s2 =	sadd.s32 s2, s0;
	[tilespmem:s31+$0x0] =	vst v0  }
0xcc: {  	v0 =	vld.msk [tilespmem:s2+$0x0 ss:$0x0], $0xffff  }
0xcd: {  	v1 =	vld [tilespmem:s30+$0xFFFFFF90]  }
0xce: {  	s10 =	sadd.s32 $0x80, s28  }
0xcf: {  	v2 =	vld [tilespmem:s10+$0xFFFFFFC0];
	_ =	sdelay $0x2  }
0xd0: {  	v1 =	vmul.f32 v1, v0;
	_ =	sdelay $0x1  }
0xd1: {  	v1 =	vadd.f32 v2, v1;
	_ =	sdelay $0x1  }
0xd2: {  	[tilespmem:s29+$0xFFFFCB90] =	vst v1  }
0xd3: {  	v1 =	vld [tilespmem:s30+$0xFFFFFFA0];
	_ =	sdelay $0x1  }
0xd4: {  	v2 =	vld [tilespmem:s10+$0xFFFFFFD0];
	_ =	sdelay $0x2  }
0xd5: {  	v1 =	vmul.f32 v1, v0;
	_ =	sdelay $0x1  }
0xd6: {  	v1 =	vadd.f32 v2, v1;
	_ =	sdelay $0x1  }
0xd7: {  	[tilespmem:s29+$0xFFFFCBA0] =	vst v1  }
0xd8: {  	v1 =	vld [tilespmem:s30+$0xFFFFFFB0];
	_ =	sdelay $0x1  }
0xd9: {  	v2 =	vld [tilespmem:s10+$0xFFFFFFE0];
	_ =	sdelay $0x2  }
0xda: {  	v1 =	vmul.f32 v1, v0;
	_ =	sdelay $0x1  }
0xdb: {  	v1 =	vadd.f32 v2, v1;
	_ =	sdelay $0x1  }
0xdc: {  	[tilespmem:s29+$0xFFFFCBB0] =	vst v1  }
0xdd: {  	v1 =	vld [tilespmem:s30+$0xFFFFFFC0];
	_ =	sdelay $0x1  }
0xde: {  	v2 =	vld [tilespmem:s10+$0xFFFFFFF0];
	_ =	sdelay $0x2  }
0xdf: {  	v1 =	vmul.f32 v1, v0;
	_ =	sdelay $0x1  }
0xe0: {  	v1 =	vadd.f32 v2, v1;
	_ =	sdelay $0x1  }
0xe1: {  	[tilespmem:s29+$0xFFFFCBC0] =	vst v1  }
0xe2: {  	v1 =	vld [tilespmem:s30+$0xFFFFFFD0];
	_ =	sdelay $0x1  }
0xe3: {  	v2 =	vld [tilespmem:s10+$0x0];
	_ =	sdelay $0x2  }
0xe4: {  	v1 =	vmul.f32 v1, v0;
	_ =	sdelay $0x1  }
0xe5: {  	v1 =	vadd.f32 v2, v1;
	_ =	sdelay $0x1  }
0xe6: {  	[tilespmem:s29+$0xFFFFCBD0] =	vst v1  }
0xe7: {  	v1 =	vld [tilespmem:s30+$0xFFFFFFE0];
	_ =	sdelay $0x1  }
0xe8: {  	v2 =	vld [tilespmem:s10+$0x10];
	_ =	sdelay $0x2  }
0xe9: {  	v1 =	vmul.f32 v1, v0;
	_ =	sdelay $0x1  }
0xea: {  	v1 =	vadd.f32 v2, v1;
	_ =	sdelay $0x1  }
0xeb: {  	[tilespmem:s29+$0xFFFFCBE0] =	vst v1  }
0xec: {  	v1 =	vld [tilespmem:s30+$0xFFFFFFF0];
	_ =	sdelay $0x1  }
0xed: {  	v2 =	vld [tilespmem:s10+$0x20];
	_ =	sdelay $0x2  }
0xee: {  	v1 =	vmul.f32 v1, v0;
	_ =	sdelay $0x1  }
0xef: {  	v1 =	vadd.f32 v2, v1;
	_ =	sdelay $0x1  }
0xf0: {  	[tilespmem:s29+$0xFFFFCBF0] =	vst v1  }
0xf1: {  	v1 =	vld [tilespmem:s30+$0x0];
	_ =	sdelay $0x1  }
0xf2: {  	v2 =	vld [tilespmem:s10+$0x30];
	_ =	sdelay $0x2  }
0xf3: {  	v0 =	vmul.f32 v1, v0;
	_ =	sdelay $0x1  }
0xf4: {  	v0 =	vadd.f32 v2, v0;
	_ =	sdelay $0x1  }
0xf5: {  	[tilespmem:s29+$0xFFFFCC00] =	vst v0  }
0xf6: {  	v0 =	vld.msk [tilespmem:s2+$0x80 ss:$0x0], $0xffff  }
0xf7: {  	v1 =	vld [tilespmem:s30+$0xFFFFFF90];
	_ =	sdelay $0x1  }
0xf8: {  	v2 =	vld [tilespmem:s10+$0xFFFFFFC0];
	_ =	sdelay $0x2  }
0xf9: {  	v1 =	vmul.f32 v1, v0;
	_ =	sdelay $0x1  }
0xfa: {  	v1 =	vadd.f32 v2, v1;
	_ =	sdelay $0x1  }
0xfb: {  	[tilespmem:s29+$0xFFFFFF90] =	vst v1  }
0xfc: {  	v1 =	vld [tilespmem:s30+$0xFFFFFFA0];
	_ =	sdelay $0x1  }
0xfd: {  	v2 =	vld [tilespmem:s10+$0xFFFFFFD0];
	_ =	sdelay $0x2  }
0xfe: {  	v1 =	vmul.f32 v1, v0;
	_ =	sdelay $0x1  }
0xff: {  	v1 =	vadd.f32 v2, v1;
	_ =	sdelay $0x1  }
0x100: {  	[tilespmem:s29+$0xFFFFFFA0] =	vst v1  }
0x101: {  	v1 =	vld [tilespmem:s30+$0xFFFFFFB0];
	_ =	sdelay $0x1  }
0x102: {  	v2 =	vld [tilespmem:s10+$0xFFFFFFE0];
	_ =	sdelay $0x2  }
0x103: {  	v1 =	vmul.f32 v1, v0;
	_ =	sdelay $0x1  }
0x104: {  	v1 =	vadd.f32 v2, v1;
	_ =	sdelay $0x1  }
0x105: {  	[tilespmem:s29+$0xFFFFFFB0] =	vst v1  }
0x106: {  	v1 =	vld [tilespmem:s30+$0xFFFFFFC0];
	_ =	sdelay $0x1  }
0x107: {  	v2 =	vld [tilespmem:s10+$0xFFFFFFF0];
	_ =	sdelay $0x2  }
0x108: {  	v1 =	vmul.f32 v1, v0;
	_ =	sdelay $0x1  }
0x109: {  	v1 =	vadd.f32 v2, v1;
	_ =	sdelay $0x1  }
0x10a: {  	[tilespmem:s29+$0xFFFFFFC0] =	vst v1  }
0x10b: {  	v1 =	vld [tilespmem:s30+$0xFFFFFFD0];
	_ =	sdelay $0x1  }
0x10c: {  	v2 =	vld [tilespmem:s10+$0x0];
	_ =	sdelay $0x2  }
0x10d: {  	v1 =	vmul.f32 v1, v0;
	_ =	sdelay $0x1  }
0x10e: {  	v1 =	vadd.f32 v2, v1;
	_ =	sdelay $0x1  }
0x10f: {  	[tilespmem:s29+$0xFFFFFFD0] =	vst v1  }
0x110: {  	v1 =	vld [tilespmem:s30+$0xFFFFFFE0];
	_ =	sdelay $0x1  }
0x111: {  	v2 =	vld [tilespmem:s10+$0x10];
	_ =	sdelay $0x2  }
0x112: {  	v1 =	vmul.f32 v1, v0;
	_ =	sdelay $0x1  }
0x113: {  	v1 =	vadd.f32 v2, v1;
	_ =	sdelay $0x1  }
0x114: {  	[tilespmem:s29+$0xFFFFFFE0] =	vst v1  }
0x115: {  	v1 =	vld [tilespmem:s30+$0xFFFFFFF0];
	_ =	sdelay $0x1  }
0x116: {  	v2 =	vld [tilespmem:s10+$0x20];
	_ =	sdelay $0x2  }
0x117: {  	v1 =	vmul.f32 v1, v0;
	_ =	sdelay $0x1  }
0x118: {  	v1 =	vadd.f32 v2, v1;
	_ =	sdelay $0x1  }
0x119: {  	[tilespmem:s29+$0xFFFFFFF0] =	vst v1  }
0x11a: {  	v1 =	vld [tilespmem:s30+$0x0];
	_ =	sdelay $0x1  }
0x11b: {  	v2 =	vld [tilespmem:s10+$0x30];
	_ =	sdelay $0x2  }
0x11c: {  	v0 =	vmul.f32 v1, v0;
	_ =	sdelay $0x1  }
0x11d: {  	v0 =	vadd.f32 v2, v0;
	_ =	sdelay $0x1  }
0x11e: {  	[tilespmem:s29+$0x0] =	vst v0  }
0x11f: {  	v0 =	vld [tilespmem:$0x0]  }
0x120: {  	v1 =	vld [tilespmem:$0x10]  }
0x121: {  	v2 =	vld [tilespmem:$0x20]  }
0x122: {  	v3 =	vld [tilespmem:$0x30]  }
0x123: {  	v4 =	vld [tilespmem:$0x40]  }
0x124: {  	[tilespmem:$0x7000] =	vst v0;
	v0 =	vld [tilespmem:$0x50]  }
0x125: {  	[tilespmem:$0x7010] =	vst v1;
	v1 =	vld [tilespmem:$0x60]  }
0x126: {  	[tilespmem:$0x7020] =	vst v2;
	v2 =	vld [tilespmem:$0x70]  }
0x127: {  	[tilespmem:$0x7030] =	vst v3;
	v3 =	vld [tilespmem:$0x0]  }
0x128: {  	[tilespmem:$0x7040] =	vst v4;
	v4 =	vld [tilespmem:$0x10]  }
0x129: {  	[tilespmem:$0x7050] =	vst v0;
	v0 =	vld [tilespmem:$0x20]  }
0x12a: {  	[tilespmem:$0x7060] =	vst v1;
	v1 =	vld [tilespmem:$0x30]  }
0x12b: {  	[tilespmem:$0x7070] =	vst v2;
	v2 =	vld [tilespmem:$0x40]  }
0x12c: {  	[tilespmem:$0xA400] =	vst v3;
	v3 =	vld [tilespmem:$0x50]  }
0x12d: {  	[tilespmem:$0xA410] =	vst v4;
	v4 =	vld [tilespmem:$0x60]  }
0x12e: {  	[tilespmem:$0xA420] =	vst v0;
	v0 =	vld [tilespmem:$0x70]  }
0x12f: {  	[tilespmem:$0xA430] =	vst v1  }
0x130: {  	[tilespmem:$0xA440] =	vst v2  }
0x131: {  	s28 =	smul.u32 $0x680, s26;
	[tilespmem:$0xA450] =	vst v3  }
0x132: {  	[tilespmem:$0xA460] =	vst v4  }
0x133: {  	s0 =	sadd.s32 s6, s28;
	[tilespmem:$0xA470] =	vst v0  }
0x134: {  	[hbm4b:s0+s4] =	stream.linear.scatter [tilespmem:s11], [sflag:$0x1], $0x3280, $0x38;
	[tilespmem:$0x14000] =	vst v63  }
0x135: {  	s0 =	sadd.s32 $0x680, s0  }
0x136: {  	[hbm4b:s0+s4] =	stream.linear.scatter [tilespmem:s12], [sflag:$0x1], $0x3280, $0x38;
	[tilespmem:$0x14000] =	vst v63  }
0x137: {  	s0 =	simm.s32 @!p0 $0x2  }
0x138: {  	_ =	swait.ge @!p0 [sflag:s0], $0x6500  }
0x139: {  	[sflag:s0] =	ssyncset.done @!p0 $0x0  }
0x13a: {  	[sflag:s0] =	ssyncadd.s32 @!p0 $0xFFFF9B00;
	s0 =	simm.s32 $0x0  }
0x13b: {  	v0 =	vld [tilespmem:s0+$0x3440]  }
0x13c: {  	v5 =	vld [tilespmem:s0+$0xE0]  }
0x13d: {  	v1 =	vld [tilespmem:s0+$0xF0]  }
0x13e: {  	v4 =	vld [tilespmem:s0+$0xD0]  }
0x13f: {  	v3 =	vld [tilespmem:s0+$0x90]  }
0x140: {  	s30 =	simm.s32 $0x0;
	v2 =	vld [tilespmem:s0+$0xC0]  }
0x141: {  	s2 =	sand.u32 $0x3FFFFF80, s30;
	v6 =	vld [tilespmem:s0+$0xA0]  }
0x142: {  	s3 =	sadd.s32 s2, s23;
	v7 =	vld [tilespmem:s0+$0xB0]  }
0x143: {  	v8 =	vld.msk [tilespmem:s3+$0x0 ss:$0x0], $0xffff  }
0x144: {  	v9 =	vld [tilespmem:s0+$0x80]  }
0x145: {  	v12 =	vld [tilespmem:s0+$0x3420]  }
0x146: {  	v10 =	vld [tilespmem:s0+$0x3410]  }
0x147: {  	v11 =	vld [tilespmem:s0+$0x3400]  }
0x148: {  	v13 =	vld [tilespmem:s0+$0x3470];
	v6 =	vmul.f32 v6, v8  }
0x149: {  	v14 =	vld [tilespmem:s0+$0x3450]  }
0x14a: {  	v15 =	vld [tilespmem:s0+$0x3430];
	v2 =	vmul.f32 v2, v8;
	v6 =	vadd.f32 v12, v6  }
0x14b: {  	v16 =	vld [tilespmem:s0+$0x3460];
	v17 =	vmul.f32 v1, v8  }
0x14c: {  	v1 =	vld [tilespmem:s0+$0x3470];
	v2 =	vadd.f32 v0, v2;
	[tilespmem:s0+$0xD8A0] =	vst v6;
	v6 =	vmul.f32 v3, v8  }
0x14d: {  	v9 =	vmul.f32 v9, v8;
	v0 =	vld [tilespmem:s0+$0x3420];
	v12 =	vadd.f32 v13, v17  }
0x14e: {  	v5 =	vmul.f32 v5, v8;
	v17 =	vld [tilespmem:s0+$0xD0];
	[tilespmem:s0+$0xD8C0] =	vst v2;
	v6 =	vadd.f32 v10, v6  }
0x14f: {  	v9 =	vadd.f32 v11, v9;
	v11 =	vld [tilespmem:s0+$0x3410];
	[tilespmem:s0+$0xD8F0] =	vst v12;
	v10 =	vmul.f32 v4, v8  }
0x150: {  	v5 =	vadd.f32 v16, v5;
	v2 =	vld [tilespmem:s0+$0x3450];
	[tilespmem:s0+$0xD890] =	vst v6;
	v6 =	vmul.f32 v7, v8  }
0x151: {  	[tilespmem:s0+$0xD880] =	vst v9;
	v12 =	vld [tilespmem:s0+$0xC0];
	v9 =	vadd.f32 v14, v10  }
0x152: {  	[tilespmem:s0+$0xD8E0] =	vst v5;
	v5 =	vld [tilespmem:s0+$0x90];
	v6 =	vadd.f32 v15, v6  }
0x153: {  	v7 =	vld [tilespmem:s0+$0xB0];
	[tilespmem:s0+$0xD8D0] =	vst v9  }
0x154: {  	s2 =	sadd.s32 s2, s22;
	[tilespmem:s0+$0xD8B0] =	vst v6;
	v6 =	vld [tilespmem:s0+$0x80]  }
0x155: {  	v8 =	vld.msk [tilespmem:s2+$0x0 ss:$0x0], $0xffff  }
0x156: {  	v14 =	vld [tilespmem:s0+$0xA0]  }
0x157: {  	v15 =	vld [tilespmem:s0+$0x3400]  }
0x158: {  	v3 =	vld [tilespmem:s0+$0xF0]  }
0x159: {  	v4 =	vld [tilespmem:s0+$0xE0]  }
0x15a: {  	v9 =	vld [tilespmem:s0+$0x3440];
	v16 =	vmul.f32 v6, v8;
	v13 =	vmul.f32 v5, v8  }
0x15b: {  	s31 =	sadd.s32 s25, s21;
	s5 =	simm.s32 $0x1;
	s25 =	sadd.s32 $0x1, s22;
	v10 =	vld [tilespmem:s0+$0x3460];
	v5 =	vmul.f32 v14, v8;
	v6 =	vmul.f32 v7, v8  }
0x15c: {  	s26 =	sadd.s32 $0x1, s23;
	s29 =	simm.s32 $0x200;
	s2 =	sadd.s32 $0x2, s31;
	v7 =	vld [tilespmem:s0+$0x3430];
	v12 =	vmul.f32 v12, v8;
	v14 =	vadd.f32 v15, v16;
	v15 =	vmul.f32 v17, v8  }
.LBB2_6:
0x15d: {  	s3 =	smov.u32 s29  }
0x15e: {  	s28 =	sand.u32 $0x3FFFFF80, s5;
	s10 =	sshra.s32 s29, $0x2;
	v11 =	vadd.f32 v11, v13;
	v4 =	vmul.f32 v4, v8;
	v3 =	vmul.f32 v3, v8;
	s3 =	sadd.s32 $0x200, s29  }
0x15f: {  	p0 =	sne.s32 s29, $0xC600;
	s30 =	sadd.s32 s28, s26;
	v9 =	vadd.f32 v9, v12;
	v2 =	vadd.f32 v2, v15;
	v8 =	vld [tilespmem:s10+$0x3440];
	[tilespmem:s0+$0x10C80] =	vst v14  }
0x160: {  	v4 =	vadd.f32 v10, v4;
	v1 =	vadd.f32 v1, v3;
	v12 =	vld [tilespmem:s10+$0xE0];
	[tilespmem:s0+$0x10C90] =	vst v11  }
0x161: {  	v3 =	vld [tilespmem:s10+$0xF0];
	[tilespmem:s0+$0x10CD0] =	vst v2  }
0x162: {  	v2 =	vld [tilespmem:s10+$0xD0];
	[tilespmem:s0+$0x10CE0] =	vst v4  }
0x163: {  	v0 =	vadd.f32 v0, v5;
	v5 =	vadd.f32 v7, v6;
	v4 =	vld [tilespmem:s10+$0x90];
	[tilespmem:s0+$0x10CF0] =	vst v1  }
0x164: {  	v1 =	vld [tilespmem:s10+$0xC0];
	[tilespmem:s0+$0x10CC0] =	vst v9  }
0x165: {  	v6 =	vld [tilespmem:s10+$0xA0];
	[tilespmem:s0+$0x10CB0] =	vst v5  }
0x166: {  	v5 =	vld [tilespmem:s10+$0xB0];
	[tilespmem:s0+$0x10CA0] =	vst v0;
	s0 =	smov.u32 s10  }
0x167: {  	v7 =	vld.msk [tilespmem:s30+$0x0 ss:$0x0], $0xffff  }
0x168: {  	v0 =	vld [tilespmem:s0+$0x80]  }
0x169: {  	v9 =	vld [tilespmem:s0+$0x3410]  }
0x16a: {  	v10 =	vld [tilespmem:s0+$0x3400]  }
0x16b: {  	v11 =	vld [tilespmem:s0+$0x3420]  }
0x16c: {  	v13 =	vld [tilespmem:s0+$0x3470]  }
0x16d: {  	v1 =	vmul.f32 v1, v7;
	v0 =	vmul.f32 v0, v7;
	v14 =	vld [tilespmem:s0+$0x3450]  }
0x16e: {  	v4 =	vmul.f32 v4, v7;
	v6 =	vmul.f32 v6, v7;
	v15 =	vld [tilespmem:s0+$0x3430]  }
0x16f: {  	v3 =	vmul.f32 v3, v7;
	v1 =	vadd.f32 v8, v1;
	v10 =	vadd.f32 v10, v0;
	v8 =	vld [tilespmem:s0+$0x3460]  }
0x170: {  	v5 =	vmul.f32 v5, v7;
	v9 =	vadd.f32 v9, v4;
	v4 =	vadd.f32 v11, v6;
	v0 =	vld [tilespmem:s0+$0x3420]  }
0x171: {  	v6 =	vmul.f32 v2, v7;
	v7 =	vmul.f32 v12, v7;
	[tilespmem:s0+$0xD8C0] =	vst v1;
	v3 =	vadd.f32 v13, v3;
	v1 =	vld [tilespmem:s0+$0x3470]  }
0x172: {  	[tilespmem:s0+$0xD8A0] =	vst v4;
	v2 =	vld [tilespmem:s0+$0x3450]  }
0x173: {  	v6 =	vadd.f32 v14, v6;
	v5 =	vadd.f32 v15, v5;
	[tilespmem:s0+$0xD8F0] =	vst v3;
	v3 =	vld [tilespmem:s0+$0xF0]  }
0x174: {  	[tilespmem:s0+$0xD880] =	vst v10;
	v7 =	vadd.f32 v8, v7;
	v4 =	vld [tilespmem:s0+$0xE0]  }
0x175: {  	[tilespmem:s0+$0xD890] =	vst v9;
	v15 =	vld [tilespmem:s0+$0xD0]  }
0x176: {  	[tilespmem:s0+$0xD8D0] =	vst v6;
	v12 =	vld [tilespmem:s0+$0xC0]  }
0x177: {  	[tilespmem:s0+$0xD8E0] =	vst v7;
	v6 =	vld [tilespmem:s0+$0xB0]  }
0x178: {  	s10 =	sadd.s32 s28, s25;
	[tilespmem:s0+$0xD8B0] =	vst v5;
	v5 =	vld [tilespmem:s0+$0x90]  }
0x179: {  	v8 =	vld.msk [tilespmem:s10+$0x0 ss:$0x0], $0xffff  }
0x17a: {  	v7 =	vld [tilespmem:s0+$0x80]  }
0x17b: {  	v14 =	vld [tilespmem:s0+$0xA0]  }
0x17c: {  	v16 =	vld [tilespmem:s0+$0x3400]  }
.Ltmp1:
0x17d: {  	v11 =	vld [tilespmem:s0+$0x3410];
	(pc) =	sbr.rel @p0 .LBB2_6-.Ltmp1, $4  }
0x17e: {  	v9 =	vld [tilespmem:s0+$0x3440]  }
0x17f: {  	v13 =	vmul.f32 v5, v8;
	v17 =	vmul.f32 v7, v8;
	v10 =	vld [tilespmem:s0+$0x3460]  }
0x180: {  	s5 =	sadd.s32 $0x1, s5;
	v6 =	vmul.f32 v6, v8;
	v5 =	vmul.f32 v14, v8;
	v7 =	vld [tilespmem:s0+$0x3430]  }
0x181: {  	s26 =	sadd.s32 $0x1, s26;
	s29 =	smov.u32 s3;
	s25 =	sadd.s32 $0x1, s25;
	v12 =	vmul.f32 v12, v8;
	v15 =	vmul.f32 v15, v8;
	v14 =	vadd.f32 v16, v17  }
0x182: {  	v11 =	vadd.f32 v11, v13  }
0x183: {  	v0 =	vadd.f32 v0, v5;
	[tilespmem:s0+$0x10C80] =	vst v14  }
0x184: {  	v4 =	vmul.f32 v4, v8;
	v2 =	vadd.f32 v2, v15;
	[tilespmem:s0+$0x10C90] =	vst v11  }
0x185: {  	v3 =	vmul.f32 v3, v8;
	v51 =	vadd.f32 v9, v12;
	[tilespmem:s0+$0x10CA0] =	vst v0  }
0x186: {  	v4 =	vadd.f32 v10, v4;
	[tilespmem:s0+$0x10CD0] =	vst v2  }
0x187: {  	v1 =	vadd.f32 v1, v3;
	[tilespmem:s0+$0x10CC0] =	vst v51  }
0x188: {  	v52 =	vadd.f32 v7, v6;
	[tilespmem:s0+$0x10CE0] =	vst v4  }
0x189: {  	[tilespmem:s0+$0x10CF0] =	vst v1  }
0x18a: {  	[tilespmem:s0+$0x10CB0] =	vst v52  }
0x18b: {  	v0 =	vld [tilespmem:$0x0]  }
0x18c: {  	v1 =	vld [tilespmem:$0x10]  }
0x18d: {  	v2 =	vld [tilespmem:$0x20]  }
0x18e: {  	v3 =	vld [tilespmem:$0x30]  }
0x18f: {  	v4 =	vld [tilespmem:$0x40]  }
0x190: {  	v53 =	vld [tilespmem:$0x50];
	[tilespmem:$0xD800] =	vst v0  }
0x191: {  	v54 =	vld [tilespmem:$0x60];
	[tilespmem:$0xD810] =	vst v1  }
0x192: {  	v55 =	vld [tilespmem:$0x70];
	[tilespmem:$0xD820] =	vst v2  }
0x193: {  	v56 =	vld [tilespmem:$0x0];
	[tilespmem:$0xD830] =	vst v3  }
0x194: {  	v57 =	vld [tilespmem:$0x10];
	[tilespmem:$0xD840] =	vst v4  }
0x195: {  	v58 =	vld [tilespmem:$0x20];
	[tilespmem:$0xD850] =	vst v53  }
0x196: {  	v59 =	vld [tilespmem:$0x30];
	[tilespmem:$0xD860] =	vst v54  }
0x197: {  	v60 =	vld [tilespmem:$0x40];
	[tilespmem:$0xD870] =	vst v55  }
0x198: {  	v61 =	vld [tilespmem:$0x50];
	[tilespmem:$0x10C00] =	vst v56  }
0x199: {  	v62 =	vld [tilespmem:$0x60];
	[tilespmem:$0x10C10] =	vst v57  }
0x19a: {  	v63 =	vld [tilespmem:$0x70];
	[tilespmem:$0x10C20] =	vst v58  }
0x19b: {  	[tilespmem:$0x10C30] =	vst v59  }
0x19c: {  	s24 =	sadd.s32 $0x1, s24;
	[tilespmem:$0x10C40] =	vst v60  }
0x19d: {  	s31 =	smul.u32 $0x680, s2;
	p0 =	sne.s32 s24, $0x4;
	[tilespmem:$0x10C50] =	vst v61  }
.Ltmp2:
0x19e: {  	[tilespmem:$0x10C60] =	vst v62;
	(pc) =	sbr.rel @p0 .LBB2_3-.Ltmp2, $4  }
0x19f: {  	s20 =	sadd.s32 $0x200, s20;
	s0 =	sadd.s32 s6, s31;
	[tilespmem:$0x10C70] =	vst v63  }
0x1a0: {  	[hbm4b:s0+s4] =	stream.linear.scatter [tilespmem:s13], [sflag:$0x2], $0x3280, $0x38;
	[tilespmem:$0x14000] =	vst v63  }
0x1a1: {  	s22 =	sadd.s32 $0x200, s22;
	s23 =	sadd.s32 $0x200, s23;
	s0 =	sadd.s32 $0x680, s0  }
0x1a2: {  	[hbm4b:s0+s4] =	stream.linear.scatter [tilespmem:s14], [sflag:$0x2], $0x3280, $0x38;
	[tilespmem:$0x14000] =	vst v63  }
0x1a3: {  	s18 =	sadd.s32 $0x1, s18  }
0x1a4: {  	p0 =	sne.s32 s18, $0x4  }
.Ltmp3:
0x1a5: {  	_ = 	snop;
	(pc) =	sbr.rel @p0 .LBB2_2-.Ltmp3, $1  }
0x1a6: {  	_ =	sdelay $0x3  }
0x1a7: {  	s17 =	sadd.s32 $0x1, s17  }
0x1a8: {  	_ =	swait.ge [sflag:s15], $0x6500;
	p0 =	sne.s32 s17, s8  }
.Ltmp4:
0x1a9: {  	[sflag:s15] =	ssyncset.done $0x0;
	(pc) =	sbr.rel @p0 .LBB2_1-.Ltmp4, $4  }
0x1aa: {  	[sflag:s15] =	ssyncadd.s32 $0xFFFF9B00  }
0x1ab: {  	_ =	swait.ge [sflag:s16], $0x6500  }
0x1ac: {  	[sflag:s16] =	ssyncset.done $0x0  }
0x1ad: {  	[sflag:s16] =	ssyncadd.s32 $0xFFFF9B00  }
0x1ae: {  	_ =	sfence.sel $0x180000  }
0x1af: {  	[bflag:$0x0] =	sbarrier.arrive $0xFFFF  }
0x1b0: {  	_ =	strace $0x90000047  }
0x1b1: {  	s0 =	stileid.u32;
	[bflag:$0x2] =	sbarrier.arrive $0xFFFF  }
0x1b2: {  	p0 =	sne.s32 s0, $0x0;
	s0 =	rddreg [dreg:$0x4]  }
0x1b3: {  	s0 =	sadd.s32 @!p0 $0x100000, s0  }
0x1b4: {  	[sflag:s0] =	ssyncadd.tile.s32 @!p0 $0x1;
	_ =	shalt  }
.Lfunc_end2:
_tile_overlayer_lowered:
.L_overlay_start_2:
0x1b5: {  	(tag) =	ssettag $0x2  }
0x1b6: {  	s0 =	rddreg [dreg:$0x0];
	s2 =	stileid.u32  }
0x1b7: {  	s1 =	rddreg [dreg:$0x1];
	p0 =	sne.s32 s2, $0x0  }
0x1b8: {  	s3 =	rddreg [dreg:$0x2];
	[bflag:$0x3] =	sbarrier.arrive $0xFFFF;
	s2 =	simm.s32 @!p0 $0x1C03  }
0x1b9: {  	[timem:s3], [sflag:s2] =	dma.local @!p0 [hbm:s0], s1  }
0x1ba: {  	s0 =	simm.s32 @!p0 $0x3  }
0x1bb: {  	_ =	swait.ge @!p0 [sflag:s0], s1  }
0x1bc: {  	s1 =	ssub.s32 @!p0 $0x0, s1;
	[sflag:s0] =	ssyncset.done @!p0 $0x0  }
0x1bd: {  	[sflag:s0] =	ssyncadd.s32 @!p0 s1  }
0x1be: {  	[bflag:$0x3] =	sbarrier.arrive $0xFFFF  }
0x1bf: {  	_ =	shalt  }

</sc_bundles>
